<compile_context>
chip_gen: v7x
topology: tpu7x:2x2x1
jax: 0.10.2.dev20260603
libtpu: 0.0.44.dev20260713+nightly
codegen_flags: <defaults>
</compile_context>

<pallas_src>
import functools

import jax
import jax.numpy as jnp
from jax import lax
from jax.experimental import pallas as pl
from jax.experimental.pallas import tpu as pltpu
from jax.experimental.pallas import tpu_sc as plsc

_TOP_K = 2
_HID = 1024
_BM = 512


def _gating_kernel(x_ref, gw_ref, gb_ref, gs_ref, acc_ref):
    i = pl.program_id(0)
    n = pl.num_programs(0)
    num_experts = gw_ref.shape[0]
    logits = jax.lax.dot_general(
        x_ref[...], gw_ref[...],
        dimension_numbers=(((1,), (1,)), ((), ())),
        preferred_element_type=jnp.float32,
    )
    part = jnp.sum(logits, axis=0, keepdims=True)

    @pl.when(i == 0)
    def _():
        acc_ref[:1, :num_experts] = part

    @pl.when(i > 0)
    def _():
        acc_ref[:1, :num_experts] += part

    @pl.when(i == n - 1)
    def _():
        gs = acc_ref[:1, :num_experts] + gb_ref[...]
        for e in range(gs_ref.shape[0]):
            gs_ref[e] = gs[0, e]


def _sc_rank_experts(num_experts):
    mesh = plsc.VectorSubcoreMesh(core_axis_name="c", subcore_axis_name="s")

    @functools.partial(
        pl.kernel,
        mesh=mesh,
        out_type=jax.ShapeDtypeStruct((num_experts,), jnp.int32),
        scratch_types=[
            pltpu.VMEM((num_experts,), jnp.float32),
            pltpu.VMEM((num_experts,), jnp.int32),
        ],
    )
    def rank(gs_hbm, order_hbm, gs_v, iv_v):
        c = lax.axis_index("c")
        sub = lax.axis_index("s")

        @pl.when((c == 0) & (sub == 0))
        def _():
            pltpu.sync_copy(gs_hbm, gs_v)
            iota = lax.iota(jnp.int32, num_experts)
            keys = gs_v[...]
            best = keys[0]
            besti = jnp.int32(0)
            sec = keys[1]
            seci = jnp.int32(1)
            swap = sec > best
            best, sec = jnp.where(swap, sec, best), jnp.where(swap, best, sec)
            besti, seci = (jnp.where(swap, seci, besti),
                           jnp.where(swap, besti, seci))
            for i in range(2, num_experts):
                v = keys[i]
                gt = v > best
                mid = v > sec
                nbest = jnp.where(gt, v, best)
                nbesti = jnp.where(gt, jnp.int32(i), besti)
                nsec = jnp.where(gt, best, jnp.where(mid, v, sec))
                nseci = jnp.where(gt, besti, jnp.where(mid, jnp.int32(i), seci))
                best, besti, sec, seci = nbest, nbesti, nsec, nseci
            iv_v[...] = jnp.where(iota == 0, besti,
                                  jnp.where(iota == 1, seci, jnp.int32(0)))
            pltpu.sync_copy(iv_v, order_hbm)

    return rank


def _collapse_kernel(idx_ref, w_ref, a_ref, m0_ref, m1_ref, wb_ref):
    k = pl.program_id(0)
    j = pl.program_id(1)

    @pl.when(j == 0)
    def _():
        wb_ref[...] = w_ref[...].astype(jnp.bfloat16)

    p = jax.lax.dot_general(
        wb_ref[...], a_ref[...].astype(jnp.bfloat16),
        dimension_numbers=(((1,), (1,)), ((), ())),
        preferred_element_type=jnp.float32,
    )

    @pl.when((k == 0) & (j == 0))
    def _():
        m0_ref[...] = p.astype(jnp.bfloat16)

    @pl.when((k == 0) & (j > 0))
    def _():
        m1_ref[...] = p.astype(jnp.bfloat16)

    @pl.when((k > 0) & (j == 0))
    def _():
        m0_ref[...] = (m0_ref[...].astype(jnp.float32) + p).astype(jnp.bfloat16)

    @pl.when((k > 0) & (j > 0))
    def _():
        m1_ref[...] = (m1_ref[...].astype(jnp.float32) + p).astype(jnp.bfloat16)


def _moe_kernel(x_ref, m0_ref, m1_ref, b_ref, o_ref):
    xb = x_ref[...].astype(jnp.bfloat16)
    hn = m0_ref.shape[1]
    y0 = jax.lax.dot_general(
        xb, m0_ref[...],
        dimension_numbers=(((1,), (0,)), ((), ())),
        preferred_element_type=jnp.float32,
    )
    y1 = jax.lax.dot_general(
        xb, m1_ref[...],
        dimension_numbers=(((1,), (0,)), ((), ())),
        preferred_element_type=jnp.float32,
    )
    o_ref[:, :hn] = y0 + b_ref[:, :hn]
    o_ref[:, hn:] = y1 + b_ref[:, hn:]


def kernel(x, gating_w, gating_b, weight, agg_w, agg_b):
    batch, in_dim = x.shape
    num_experts = gating_w.shape[0]
    out_dim = agg_w.shape[0]

    gb_total = (gating_b.astype(jnp.float32) * batch).reshape(1, num_experts)

    bm_gate = 1024
    gs = pl.pallas_call(
        _gating_kernel,
        grid=(batch // bm_gate,),
        in_specs=[
            pl.BlockSpec((bm_gate, in_dim), lambda i: (i, 0)),
            pl.BlockSpec((num_experts, in_dim), lambda i: (0, 0)),
            pl.BlockSpec((1, num_experts), lambda i: (0, 0)),
        ],
        out_specs=pl.BlockSpec(memory_space=pltpu.SMEM),
        out_shape=jax.ShapeDtypeStruct((num_experts,), jnp.float32),
        scratch_shapes=[pltpu.VMEM((8, 128), jnp.float32)],
    )(x, gating_w, gb_total)

    idx = _sc_rank_experts(num_experts)(gs)

    bn = out_dim // 2
    collapse_spec = pltpu.PrefetchScalarGridSpec(
        num_scalar_prefetch=1,
        grid=(_TOP_K, out_dim // bn),
        in_specs=[
            pl.BlockSpec((in_dim, _HID), lambda k, j, idx_ref: (0, idx_ref[k])),
            pl.BlockSpec((bn, _HID), lambda k, j, idx_ref: (j, idx_ref[k])),
        ],
        out_specs=[
            pl.BlockSpec((in_dim, bn), lambda k, j, idx_ref: (0, 0)),
            pl.BlockSpec((in_dim, bn), lambda k, j, idx_ref: (0, 0)),
        ],
        scratch_shapes=[
            pltpu.VMEM((in_dim, _HID), jnp.bfloat16),
        ],
    )
    m0, m1 = pl.pallas_call(
        _collapse_kernel,
        grid_spec=collapse_spec,
        out_shape=[
            jax.ShapeDtypeStruct((in_dim, bn), jnp.bfloat16),
            jax.ShapeDtypeStruct((in_dim, bn), jnp.bfloat16),
        ],
        compiler_params=pltpu.CompilerParams(
            vmem_limit_bytes=63 * 1024 * 1024,
        ),
    )(idx, weight, agg_w)


    b2 = agg_b.reshape(1, out_dim)
    out = pl.pallas_call(
        _moe_kernel,
        grid=(batch // _BM,),
        in_specs=[
            pl.BlockSpec((_BM, in_dim), lambda i: (i, 0)),
            pl.BlockSpec((in_dim, bn), lambda i: (0, 0)),
            pl.BlockSpec((in_dim, bn), lambda i: (0, 0)),
            pl.BlockSpec((1, out_dim), lambda i: (0, 0)),
        ],
        out_specs=pl.BlockSpec((_BM, out_dim), lambda i: (i, 0)),
        out_shape=jax.ShapeDtypeStruct((batch, out_dim), jnp.float32),
        compiler_params=pltpu.CompilerParams(
            dimension_semantics=("arbitrary",),
        ),
    )(x, m0, m1, b2)
    return out

# --- scband reference (transcript-rebuilt; emitter-appended) ---
"""Pipeline reference for scband-dynamic-block-sparse-mo-e-10952166604908 (READ-ONLY COPY).

The authoritative reference and input builder live on the scoring server;
editing this copy changes nothing except your own understanding.
"""

import jax, jax.numpy as jnp
import numpy as np

NUM_EXPERTS = 16
TOP_K = 2
TILE = 16
IN_DIM = 2048
HID = 1024
OUT_DIM = 2048
TOTAL = NUM_EXPERTS * HID
BATCH = 4096


def setup_inputs(seed: int = 0) -> dict:
    key = jax.random.key(seed)
    ks = jax.random.split(key, 5)
    x = jax.random.normal(ks[0], (BATCH, IN_DIM), dtype=jnp.float32)
    gating_w = jax.random.normal(ks[1], (NUM_EXPERTS, IN_DIM), dtype=jnp.float32) * (1.0 / np.sqrt(IN_DIM))
    gating_b = jnp.zeros((NUM_EXPERTS,), dtype=jnp.float32)
    weight = jax.random.normal(ks[2], (IN_DIM, TOTAL), dtype=jnp.float32) * 0.01
    agg_w = jax.random.normal(ks[3], (OUT_DIM, TOTAL), dtype=jnp.float32) * (1.0 / np.sqrt(TOTAL))
    agg_b = jnp.zeros((OUT_DIM,), dtype=jnp.float32)
    return {"x": x, "gating_w": gating_w, "gating_b": gating_b, "weight": weight, "agg_w": agg_w, "agg_b": agg_b}


def _block_sparse_matmul(x, weight, full_mask, tile_size):
    # full_mask: flat (row_blocks * col_blocks,), col block width = HID, row block height = tile_size
    row_blocks = x.shape[0] // tile_size
    col_blocks = NUM_EXPERTS
    m2 = full_mask.reshape(row_blocks, col_blocks).astype(x.dtype)
    col_mask = jnp.repeat(m2, HID, axis=1)          # (row_blocks, TOTAL)
    row_mask = jnp.repeat(col_mask, tile_size, axis=0)  # (BATCH, TOTAL)
    return (x @ weight) * row_mask


def _forward(x, gating_w, gating_b, weight, agg_w, agg_b):
    batch_size = x.shape[0]
    row_blocks = batch_size // TILE
    gating_logits = x @ gating_w.T + gating_b            # (B, E)
    gating_sum = gating_logits.sum(axis=0)               # (E,)
    topk_vals, topk_inds = jax.lax.top_k(gating_sum, TOP_K)
    block_mask_experts = jnp.zeros((NUM_EXPERTS,), dtype=jnp.float32).at[topk_inds].set(1.0)
    full_mask = jnp.broadcast_to(block_mask_experts[None, :], (row_blocks, NUM_EXPERTS)).reshape(-1)
    out_sparse = _block_sparse_matmul(x, weight, full_mask, TILE)  # (B, TOTAL)
    final_out = out_sparse @ agg_w.T + agg_b             # (B, OUT_DIM)
    return final_out


def reference(x, gating_w, gating_b, weight, agg_w, agg_b):
    # Original torch module returns (final_out, None); we return final_out.
    return _forward(x, gating_w, gating_b, weight, agg_w, agg_b)

if __name__ == "__main__":
    import jax
    _d = setup_inputs()
    print(jax.jit(kernel)(*tuple(_d.values())))

</pallas_src>

<mosaic_0001>
#map = affine_map<(d0, d1) -> (0)>
module attributes {stable_mosaic.version = 14 : i64} {
  func.func @rank(%arg0: i32, %arg1: i32, %arg2: memref<16xf32, #tpu.memory_space<hbm>>, %arg3: memref<16xi32, #tpu.memory_space<hbm>>, %arg4: memref<16xf32, #tpu.memory_space<vmem>>, %arg5: memref<16xi32, #tpu.memory_space<vmem>>) attributes {dimension_semantics = [#tpu.dimension_semantics<core_parallel>, #tpu.dimension_semantics<subcore_parallel>], iteration_bounds = array<i64: 2, 16>, scalar_prefetch = 0 : i64, scratch_operands = 2 : i64, tpu.core_type = #tpu.core_type<sc_vector_subcore>, window_params = [{transform_indices = #map}, {transform_indices = #map}]} {
    %eq3A = arith.constant 0 : i32
    %eq3A_0 = arith.cmpi eq, %arg0, %eq3A : i32
    %eq3A_1 = arith.constant 0 : i32
    %eq3A_2 = arith.cmpi eq, %arg1, %eq3A_1 : i32
    %and3A = arith.andi %eq3A_0, %eq3A_2 : i1
    %convert_element_type3A = arith.extui %and3A : i1 to i32
    %cond3A = arith.constant 0 : i32
    %cond3A_3 = arith.cmpi ne, %convert_element_type3A, %cond3A : i32
    scf.if %cond3A_3 {
      "tpu.region"() ({
        %run_scoped3A = tpu.sem_alloc : memref<!tpu.dma_semaphore, #tpu.memory_space<semaphore_mem>>
        tpu.enqueue_dma source(%arg2 : memref<16xf32, #tpu.memory_space<hbm>>) target(%arg4 : memref<16xf32, #tpu.memory_space<vmem>>) target_semaphore(%run_scoped3A : memref<!tpu.dma_semaphore, #tpu.memory_space<semaphore_mem>>)
        tpu.wait_dma2 semaphore(%run_scoped3A : memref<!tpu.dma_semaphore, #tpu.memory_space<semaphore_mem>>) src(%arg2 : memref<16xf32, #tpu.memory_space<hbm>>) dst(%arg4 : memref<16xf32, #tpu.memory_space<vmem>>)
        tpu.yield
      }) : () -> ()
      %iota3A = tpu.iota {dimensions = array<i32: 0>} : vector<16xi32>
      %get3A = arith.constant 0 : index
      %get3A_4 = tpu.vector_load %arg4[%get3A] {strides = array<i32>} : memref<16xf32, #tpu.memory_space<vmem>>, vector<16xf32>,
      %get3A_5 = vector.shape_cast %get3A_4 : vector<16xf32> to vector<16xf32>
      %slice3A = vector.extract_strided_slice %get3A_5 {offsets = [0], sizes = [1], strides = [1]} : vector<16xf32> to vector<1xf32>
      %squeeze3A = vector.extract %slice3A[0] : f32 from vector<1xf32>
      %slice3A_6 = vector.extract_strided_slice %get3A_5 {offsets = [1], sizes = [1], strides = [1]} : vector<16xf32> to vector<1xf32>
      %squeeze3A_7 = vector.extract %slice3A_6[0] : f32 from vector<1xf32>
      %gt3A = arith.cmpf ogt, %squeeze3A_7, %squeeze3A : f32
      %select_n3A = arith.select %gt3A, %squeeze3A_7, %squeeze3A : f32
      %select_n3A_8 = arith.select %gt3A, %squeeze3A, %squeeze3A_7 : f32
      %jit3A = arith.constant 1 : i32
      %jit3A_9 = arith.constant 0 : i32
      %select_n3A_10 = arith.select %gt3A, %jit3A, %jit3A_9 : i32
      %jit3A_11 = arith.constant 0 : i32
      %jit3A_12 = arith.constant 1 : i32
      %select_n3A_13 = arith.select %gt3A, %jit3A_11, %jit3A_12 : i32
      %slice3A_14 = vector.extract_strided_slice %get3A_5 {offsets = [2], sizes = [1], strides = [1]} : vector<16xf32> to vector<1xf32>
      %squeeze3A_15 = vector.extract %slice3A_14[0] : f32 from vector<1xf32>
      %gt3A_16 = arith.cmpf ogt, %squeeze3A_15, %select_n3A : f32
      %gt3A_17 = arith.cmpf ogt, %squeeze3A_15, %select_n3A_8 : f32
      %select_n3A_18 = arith.select %gt3A_16, %squeeze3A_15, %select_n3A : f32
      %jit3A_19 = arith.constant 2 : i32
      %select_n3A_20 = arith.select %gt3A_16, %jit3A_19, %select_n3A_10 : i32
      %select_n3A_21 = arith.select %gt3A_17, %squeeze3A_15, %select_n3A_8 : f32
      %select_n3A_22 = arith.select %gt3A_16, %select_n3A, %select_n3A_21 : f32
      %jit3A_23 = arith.constant 2 : i32
      %select_n3A_24 = arith.select %gt3A_17, %jit3A_23, %select_n3A_13 : i32
      %select_n3A_25 = arith.select %gt3A_16, %select_n3A_10, %select_n3A_24 : i32
      %slice3A_26 = vector.extract_strided_slice %get3A_5 {offsets = [3], sizes = [1], strides = [1]} : vector<16xf32> to vector<1xf32>
      %squeeze3A_27 = vector.extract %slice3A_26[0] : f32 from vector<1xf32>
      %gt3A_28 = arith.cmpf ogt, %squeeze3A_27, %select_n3A_18 : f32
      %gt3A_29 = arith.cmpf ogt, %squeeze3A_27, %select_n3A_22 : f32
      %select_n3A_30 = arith.select %gt3A_28, %squeeze3A_27, %select_n3A_18 : f32
      %jit3A_31 = arith.constant 3 : i32
      %select_n3A_32 = arith.select %gt3A_28, %jit3A_31, %select_n3A_20 : i32
      %select_n3A_33 = arith.select %gt3A_29, %squeeze3A_27, %select_n3A_22 : f32
      %select_n3A_34 = arith.select %gt3A_28, %select_n3A_18, %select_n3A_33 : f32
      %jit3A_35 = arith.constant 3 : i32
      %select_n3A_36 = arith.select %gt3A_29, %jit3A_35, %select_n3A_25 : i32
      %select_n3A_37 = arith.select %gt3A_28, %select_n3A_20, %select_n3A_36 : i32
      %slice3A_38 = vector.extract_strided_slice %get3A_5 {offsets = [4], sizes = [1], strides = [1]} : vector<16xf32> to vector<1xf32>
      %squeeze3A_39 = vector.extract %slice3A_38[0] : f32 from vector<1xf32>
      %gt3A_40 = arith.cmpf ogt, %squeeze3A_39, %select_n3A_30 : f32
      %gt3A_41 = arith.cmpf ogt, %squeeze3A_39, %select_n3A_34 : f32
      %select_n3A_42 = arith.select %gt3A_40, %squeeze3A_39, %select_n3A_30 : f32
      %jit3A_43 = arith.constant 4 : i32
      %select_n3A_44 = arith.select %gt3A_40, %jit3A_43, %select_n3A_32 : i32
      %select_n3A_45 = arith.select %gt3A_41, %squeeze3A_39, %select_n3A_34 : f32
      %select_n3A_46 = arith.select %gt3A_40, %select_n3A_30, %select_n3A_45 : f32
      %jit3A_47 = arith.constant 4 : i32
      %select_n3A_48 = arith.select %gt3A_41, %jit3A_47, %select_n3A_37 : i32
      %select_n3A_49 = arith.select %gt3A_40, %select_n3A_32, %select_n3A_48 : i32
      %slice3A_50 = vector.extract_strided_slice %get3A_5 {offsets = [5], sizes = [1], strides = [1]} : vector<16xf32> to vector<1xf32>
      %squeeze3A_51 = vector.extract %slice3A_50[0] : f32 from vector<1xf32>
      %gt3A_52 = arith.cmpf ogt, %squeeze3A_51, %select_n3A_42 : f32
      %gt3A_53 = arith.cmpf ogt, %squeeze3A_51, %select_n3A_46 : f32
      %select_n3A_54 = arith.select %gt3A_52, %squeeze3A_51, %select_n3A_42 : f32
      %jit3A_55 = arith.constant 5 : i32
      %select_n3A_56 = arith.select %gt3A_52, %jit3A_55, %select_n3A_44 : i32
      %select_n3A_57 = arith.select %gt3A_53, %squeeze3A_51, %select_n3A_46 : f32
      %select_n3A_58 = arith.select %gt3A_52, %select_n3A_42, %select_n3A_57 : f32
      %jit3A_59 = arith.constant 5 : i32
      %select_n3A_60 = arith.select %gt3A_53, %jit3A_59, %select_n3A_49 : i32
      %select_n3A_61 = arith.select %gt3A_52, %select_n3A_44, %select_n3A_60 : i32
      %slice3A_62 = vector.extract_strided_slice %get3A_5 {offsets = [6], sizes = [1], strides = [1]} : vector<16xf32> to vector<1xf32>
      %squeeze3A_63 = vector.extract %slice3A_62[0] : f32 from vector<1xf32>
      %gt3A_64 = arith.cmpf ogt, %squeeze3A_63, %select_n3A_54 : f32
      %gt3A_65 = arith.cmpf ogt, %squeeze3A_63, %select_n3A_58 : f32
      %select_n3A_66 = arith.select %gt3A_64, %squeeze3A_63, %select_n3A_54 : f32
      %jit3A_67 = arith.constant 6 : i32
      %select_n3A_68 = arith.select %gt3A_64, %jit3A_67, %select_n3A_56 : i32
      %select_n3A_69 = arith.select %gt3A_65, %squeeze3A_63, %select_n3A_58 : f32
      %select_n3A_70 = arith.select %gt3A_64, %select_n3A_54, %select_n3A_69 : f32
      %jit3A_71 = arith.constant 6 : i32
      %select_n3A_72 = arith.select %gt3A_65, %jit3A_71, %select_n3A_61 : i32
      %select_n3A_73 = arith.select %gt3A_64, %select_n3A_56, %select_n3A_72 : i32
      %slice3A_74 = vector.extract_strided_slice %get3A_5 {offsets = [7], sizes = [1], strides = [1]} : vector<16xf32> to vector<1xf32>
      %squeeze3A_75 = vector.extract %slice3A_74[0] : f32 from vector<1xf32>
      %gt3A_76 = arith.cmpf ogt, %squeeze3A_75, %select_n3A_66 : f32
      %gt3A_77 = arith.cmpf ogt, %squeeze3A_75, %select_n3A_70 : f32
      %select_n3A_78 = arith.select %gt3A_76, %squeeze3A_75, %select_n3A_66 : f32
      %jit3A_79 = arith.constant 7 : i32
      %select_n3A_80 = arith.select %gt3A_76, %jit3A_79, %select_n3A_68 : i32
      %select_n3A_81 = arith.select %gt3A_77, %squeeze3A_75, %select_n3A_70 : f32
      %select_n3A_82 = arith.select %gt3A_76, %select_n3A_66, %select_n3A_81 : f32
      %jit3A_83 = arith.constant 7 : i32
      %select_n3A_84 = arith.select %gt3A_77, %jit3A_83, %select_n3A_73 : i32
      %select_n3A_85 = arith.select %gt3A_76, %select_n3A_68, %select_n3A_84 : i32
      %slice3A_86 = vector.extract_strided_slice %get3A_5 {offsets = [8], sizes = [1], strides = [1]} : vector<16xf32> to vector<1xf32>
      %squeeze3A_87 = vector.extract %slice3A_86[0] : f32 from vector<1xf32>
      %gt3A_88 = arith.cmpf ogt, %squeeze3A_87, %select_n3A_78 : f32
      %gt3A_89 = arith.cmpf ogt, %squeeze3A_87, %select_n3A_82 : f32
      %select_n3A_90 = arith.select %gt3A_88, %squeeze3A_87, %select_n3A_78 : f32
      %jit3A_91 = arith.constant 8 : i32
      %select_n3A_92 = arith.select %gt3A_88, %jit3A_91, %select_n3A_80 : i32
      %select_n3A_93 = arith.select %gt3A_89, %squeeze3A_87, %select_n3A_82 : f32
      %select_n3A_94 = arith.select %gt3A_88, %select_n3A_78, %select_n3A_93 : f32
      %jit3A_95 = arith.constant 8 : i32
      %select_n3A_96 = arith.select %gt3A_89, %jit3A_95, %select_n3A_85 : i32
      %select_n3A_97 = arith.select %gt3A_88, %select_n3A_80, %select_n3A_96 : i32
      %slice3A_98 = vector.extract_strided_slice %get3A_5 {offsets = [9], sizes = [1], strides = [1]} : vector<16xf32> to vector<1xf32>
      %squeeze3A_99 = vector.extract %slice3A_98[0] : f32 from vector<1xf32>
      %gt3A_100 = arith.cmpf ogt, %squeeze3A_99, %select_n3A_90 : f32
      %gt3A_101 = arith.cmpf ogt, %squeeze3A_99, %select_n3A_94 : f32
      %select_n3A_102 = arith.select %gt3A_100, %squeeze3A_99, %select_n3A_90 : f32
      %jit3A_103 = arith.constant 9 : i32
      %select_n3A_104 = arith.select %gt3A_100, %jit3A_103, %select_n3A_92 : i32
      %select_n3A_105 = arith.select %gt3A_101, %squeeze3A_99, %select_n3A_94 : f32
      %select_n3A_106 = arith.select %gt3A_100, %select_n3A_90, %select_n3A_105 : f32
      %jit3A_107 = arith.constant 9 : i32
      %select_n3A_108 = arith.select %gt3A_101, %jit3A_107, %select_n3A_97 : i32
      %select_n3A_109 = arith.select %gt3A_100, %select_n3A_92, %select_n3A_108 : i32
      %slice3A_110 = vector.extract_strided_slice %get3A_5 {offsets = [10], sizes = [1], strides = [1]} : vector<16xf32> to vector<1xf32>
      %squeeze3A_111 = vector.extract %slice3A_110[0] : f32 from vector<1xf32>
      %gt3A_112 = arith.cmpf ogt, %squeeze3A_111, %select_n3A_102 : f32
      %gt3A_113 = arith.cmpf ogt, %squeeze3A_111, %select_n3A_106 : f32
      %select_n3A_114 = arith.select %gt3A_112, %squeeze3A_111, %select_n3A_102 : f32
      %jit3A_115 = arith.constant 10 : i32
      %select_n3A_116 = arith.select %gt3A_112, %jit3A_115, %select_n3A_104 : i32
      %select_n3A_117 = arith.select %gt3A_113, %squeeze3A_111, %select_n3A_106 : f32
      %select_n3A_118 = arith.select %gt3A_112, %select_n3A_102, %select_n3A_117 : f32
      %jit3A_119 = arith.constant 10 : i32
      %select_n3A_120 = arith.select %gt3A_113, %jit3A_119, %select_n3A_109 : i32
      %select_n3A_121 = arith.select %gt3A_112, %select_n3A_104, %select_n3A_120 : i32
      %slice3A_122 = vector.extract_strided_slice %get3A_5 {offsets = [11], sizes = [1], strides = [1]} : vector<16xf32> to vector<1xf32>
      %squeeze3A_123 = vector.extract %slice3A_122[0] : f32 from vector<1xf32>
      %gt3A_124 = arith.cmpf ogt, %squeeze3A_123, %select_n3A_114 : f32
      %gt3A_125 = arith.cmpf ogt, %squeeze3A_123, %select_n3A_118 : f32
      %select_n3A_126 = arith.select %gt3A_124, %squeeze3A_123, %select_n3A_114 : f32
      %jit3A_127 = arith.constant 11 : i32
      %select_n3A_128 = arith.select %gt3A_124, %jit3A_127, %select_n3A_116 : i32
      %select_n3A_129 = arith.select %gt3A_125, %squeeze3A_123, %select_n3A_118 : f32
      %select_n3A_130 = arith.select %gt3A_124, %select_n3A_114, %select_n3A_129 : f32
      %jit3A_131 = arith.constant 11 : i32
      %select_n3A_132 = arith.select %gt3A_125, %jit3A_131, %select_n3A_121 : i32
      %select_n3A_133 = arith.select %gt3A_124, %select_n3A_116, %select_n3A_132 : i32
      %slice3A_134 = vector.extract_strided_slice %get3A_5 {offsets = [12], sizes = [1], strides = [1]} : vector<16xf32> to vector<1xf32>
      %squeeze3A_135 = vector.extract %slice3A_134[0] : f32 from vector<1xf32>
      %gt3A_136 = arith.cmpf ogt, %squeeze3A_135, %select_n3A_126 : f32
      %gt3A_137 = arith.cmpf ogt, %squeeze3A_135, %select_n3A_130 : f32
      %select_n3A_138 = arith.select %gt3A_136, %squeeze3A_135, %select_n3A_126 : f32
      %jit3A_139 = arith.constant 12 : i32
      %select_n3A_140 = arith.select %gt3A_136, %jit3A_139, %select_n3A_128 : i32
      %select_n3A_141 = arith.select %gt3A_137, %squeeze3A_135, %select_n3A_130 : f32
      %select_n3A_142 = arith.select %gt3A_136, %select_n3A_126, %select_n3A_141 : f32
      %jit3A_143 = arith.constant 12 : i32
      %select_n3A_144 = arith.select %gt3A_137, %jit3A_143, %select_n3A_133 : i32
      %select_n3A_145 = arith.select %gt3A_136, %select_n3A_128, %select_n3A_144 : i32
      %slice3A_146 = vector.extract_strided_slice %get3A_5 {offsets = [13], sizes = [1], strides = [1]} : vector<16xf32> to vector<1xf32>
      %squeeze3A_147 = vector.extract %slice3A_146[0] : f32 from vector<1xf32>
      %gt3A_148 = arith.cmpf ogt, %squeeze3A_147, %select_n3A_138 : f32
      %gt3A_149 = arith.cmpf ogt, %squeeze3A_147, %select_n3A_142 : f32
      %select_n3A_150 = arith.select %gt3A_148, %squeeze3A_147, %select_n3A_138 : f32
      %jit3A_151 = arith.constant 13 : i32
      %select_n3A_152 = arith.select %gt3A_148, %jit3A_151, %select_n3A_140 : i32
      %select_n3A_153 = arith.select %gt3A_149, %squeeze3A_147, %select_n3A_142 : f32
      %select_n3A_154 = arith.select %gt3A_148, %select_n3A_138, %select_n3A_153 : f32
      %jit3A_155 = arith.constant 13 : i32
      %select_n3A_156 = arith.select %gt3A_149, %jit3A_155, %select_n3A_145 : i32
      %select_n3A_157 = arith.select %gt3A_148, %select_n3A_140, %select_n3A_156 : i32
      %slice3A_158 = vector.extract_strided_slice %get3A_5 {offsets = [14], sizes = [1], strides = [1]} : vector<16xf32> to vector<1xf32>
      %squeeze3A_159 = vector.extract %slice3A_158[0] : f32 from vector<1xf32>
      %gt3A_160 = arith.cmpf ogt, %squeeze3A_159, %select_n3A_150 : f32
      %gt3A_161 = arith.cmpf ogt, %squeeze3A_159, %select_n3A_154 : f32
      %select_n3A_162 = arith.select %gt3A_160, %squeeze3A_159, %select_n3A_150 : f32
      %jit3A_163 = arith.constant 14 : i32
      %select_n3A_164 = arith.select %gt3A_160, %jit3A_163, %select_n3A_152 : i32
      %select_n3A_165 = arith.select %gt3A_161, %squeeze3A_159, %select_n3A_154 : f32
      %select_n3A_166 = arith.select %gt3A_160, %select_n3A_150, %select_n3A_165 : f32
      %jit3A_167 = arith.constant 14 : i32
      %select_n3A_168 = arith.select %gt3A_161, %jit3A_167, %select_n3A_157 : i32
      %select_n3A_169 = arith.select %gt3A_160, %select_n3A_152, %select_n3A_168 : i32
      %slice3A_170 = vector.extract_strided_slice %get3A_5 {offsets = [15], sizes = [1], strides = [1]} : vector<16xf32> to vector<1xf32>
      %squeeze3A_171 = vector.extract %slice3A_170[0] : f32 from vector<1xf32>
      %gt3A_172 = arith.cmpf ogt, %squeeze3A_171, %select_n3A_162 : f32
      %gt3A_173 = arith.cmpf ogt, %squeeze3A_171, %select_n3A_166 : f32
      %select_n3A_174 = arith.select %gt3A_172, %squeeze3A_171, %select_n3A_162 : f32
      %jit3A_175 = arith.constant 15 : i32
      %select_n3A_176 = arith.select %gt3A_172, %jit3A_175, %select_n3A_164 : i32
      %select_n3A_177 = arith.select %gt3A_173, %squeeze3A_171, %select_n3A_166 : f32
      %select_n3A_178 = arith.select %gt3A_172, %select_n3A_162, %select_n3A_177 : f32
      %jit3A_179 = arith.constant 15 : i32
      %select_n3A_180 = arith.select %gt3A_173, %jit3A_179, %select_n3A_169 : i32
      %select_n3A_181 = arith.select %gt3A_172, %select_n3A_164, %select_n3A_180 : i32
      %eq3A_182 = arith.constant 0 : i32
      %eq3A_183 = vector.broadcast %eq3A_182 : i32 to vector<16xi32>
      %eq3A_184 = arith.cmpi eq, %iota3A, %eq3A_183 : vector<16xi32>
      %eq3A_185 = arith.constant 1 : i32
      %eq3A_186 = vector.broadcast %eq3A_185 : i32 to vector<16xi32>
      %eq3A_187 = arith.cmpi eq, %iota3A, %eq3A_186 : vector<16xi32>
      %jit3A_188 = arith.constant 0 : i32
      %broadcast_in_dim3A = vector.broadcast %select_n3A_181 : i32 to vector<16xi32>
      %broadcast_in_dim3A_189 = vector.broadcast %jit3A_188 : i32 to vector<16xi32>
      %select_n3A_190 = arith.select %eq3A_187, %broadcast_in_dim3A, %broadcast_in_dim3A_189 : vector<16xi1>, vector<16xi32>
      %broadcast_in_dim3A_191 = vector.broadcast %select_n3A_176 : i32 to vector<16xi32>
      %select_n3A_192 = arith.select %eq3A_184, %broadcast_in_dim3A_191, %select_n3A_190 : vector<16xi1>, vector<16xi32>
      %swap3A = arith.constant 0 : index
      %swap3A_193 = tpu.vector_load %arg5[%swap3A] {strides = array<i32>} : memref<16xi32, #tpu.memory_space<vmem>>, vector<16xi32>,
      %swap3A_194 = vector.shape_cast %swap3A_193 : vector<16xi32> to vector<16xi32>
      %swap3A_195 = vector.shape_cast %select_n3A_192 : vector<16xi32> to vector<16xi32>
      tpu.vector_store %arg5[%swap3A], %swap3A_195 {strides = array<i32>} : memref<16xi32, #tpu.memory_space<vmem>>, vector<16xi32>,
      "tpu.region"() ({
        %run_scoped3A = tpu.sem_alloc : memref<!tpu.dma_semaphore, #tpu.memory_space<semaphore_mem>>
        tpu.enqueue_dma source(%arg5 : memref<16xi32, #tpu.memory_space<vmem>>) target(%arg3 : memref<16xi32, #tpu.memory_space<hbm>>) target_semaphore(%run_scoped3A : memref<!tpu.dma_semaphore, #tpu.memory_space<semaphore_mem>>)
        tpu.wait_dma2 semaphore(%run_scoped3A : memref<!tpu.dma_semaphore, #tpu.memory_space<semaphore_mem>>) src(%arg5 : memref<16xi32, #tpu.memory_space<vmem>>) dst(%arg3 : memref<16xi32, #tpu.memory_space<hbm>>)
        tpu.yield
      }) : () -> ()
    } else {
    }
    return
  }
}

module attributes {stable_mosaic.version = 14 : i64} {
  func.func @_moe_kernel(%arg0: i32, %arg1: memref<512x2048xf32, #tpu.memory_space<vmem>>, %arg2: memref<2048x1024xbf16, #tpu.memory_space<vmem>>, %arg3: memref<2048x1024xbf16, #tpu.memory_space<vmem>>, %arg4: memref<1x2048xf32, #tpu.memory_space<vmem>>, %arg5: memref<512x2048xf32, #tpu.memory_space<vmem>>) attributes {dimension_semantics = [#tpu.dimension_semantics<arbitrary>], iteration_bounds = array<i64: 8>, scalar_prefetch = 0 : i64, scratch_operands = 0 : i64, tpu.core_type = #tpu.core_type<tc>, window_params = [{transform_indices = @transform_0, window_bounds = array<i64: 512, 2048>}, {pipeline_mode = #tpu.pipeline_mode<synchronous>, transform_indices = @transform_1, window_bounds = array<i64: 2048, 1024>}, {pipeline_mode = #tpu.pipeline_mode<synchronous>, transform_indices = @transform_2, window_bounds = array<i64: 2048, 1024>}, {pipeline_mode = #tpu.pipeline_mode<synchronous>, transform_indices = @transform_3, window_bounds = array<i64: 1, 2048>}, {transform_indices = @transform_4, window_bounds = array<i64: 512, 2048>}]} {
    %get3A = arith.constant 0 : index
    %get3A_0 = arith.constant 0 : index
    %get3A_1 = vector.load %arg1[%get3A, %get3A_0] : memref<512x2048xf32, #tpu.memory_space<vmem>>, vector<512x2048xf32>
    %convert_element_type3A = arith.truncf %get3A_1 : vector<512x2048xf32> to vector<512x2048xbf16>
    %get3A_2 = arith.constant 0 : index
    %get3A_3 = arith.constant 0 : index
    %get3A_4 = vector.load %arg2[%get3A_2, %get3A_3] : memref<2048x1024xbf16, #tpu.memory_space<vmem>>, vector<2048x1024xbf16>
    %dot_general3A = arith.constant dense<0.000000e+00> : vector<512x1024xf32>
    %dot_general3A_5 = tpu.matmul %convert_element_type3A, %get3A_4, %dot_general3A {dimension_numbers = #tpu.dot_dimension_numbers<[1], [0], [0], [1], [0, 0, 1, 1], [], []>, transpose_lhs_hint = false} : vector<512x2048xbf16>, vector<2048x1024xbf16>, vector<512x1024xf32> -> vector<512x1024xf32>
    %get3A_6 = arith.constant 0 : index
    %get3A_7 = arith.constant 0 : index
    %get3A_8 = vector.load %arg3[%get3A_6, %get3A_7] : memref<2048x1024xbf16, #tpu.memory_space<vmem>>, vector<2048x1024xbf16>
    %dot_general3A_9 = arith.constant dense<0.000000e+00> : vector<512x1024xf32>
    %dot_general3A_10 = tpu.matmul %convert_element_type3A, %get3A_8, %dot_general3A_9 {dimension_numbers = #tpu.dot_dimension_numbers<[1], [0], [0], [1], [0, 0, 1, 1], [], []>, transpose_lhs_hint = false} : vector<512x2048xbf16>, vector<2048x1024xbf16>, vector<512x1024xf32> -> vector<512x1024xf32>
    %get3A_11 = arith.constant 0 : index
    %get3A_12 = arith.constant 0 : index
    %get3A_13 = vector.load %arg4[%get3A_11, %get3A_12] : memref<1x2048xf32, #tpu.memory_space<vmem>>, vector<1x1024xf32>
    %add3A = vector.broadcast %get3A_13 : vector<1x1024xf32> to vector<512x1024xf32>
    %add3A_14 = arith.addf %dot_general3A_5, %add3A : vector<512x1024xf32>
    %swap3A = arith.constant 0 : index
    %swap3A_15 = arith.constant 0 : index
    %swap3A_16 = vector.load %arg5[%swap3A, %swap3A_15] : memref<512x2048xf32, #tpu.memory_space<vmem>>, vector<512x1024xf32>
    tpu.vector_store %arg5[%swap3A, %swap3A_15], %add3A_14 {strides = array<i32>} : memref<512x2048xf32, #tpu.memory_space<vmem>>, vector<512x1024xf32>,
    %get3A_17 = arith.constant 0 : index
    %get3A_18 = arith.constant 1024 : index
    %get3A_19 = vector.load %arg4[%get3A_17, %get3A_18] : memref<1x2048xf32, #tpu.memory_space<vmem>>, vector<1x1024xf32>
    %add3A_20 = vector.broadcast %get3A_19 : vector<1x1024xf32> to vector<512x1024xf32>
    %add3A_21 = arith.addf %dot_general3A_10, %add3A_20 : vector<512x1024xf32>
    %swap3A_22 = arith.constant 0 : index
    %swap3A_23 = arith.constant 1024 : index
    %swap3A_24 = vector.load %arg5[%swap3A_22, %swap3A_23] : memref<512x2048xf32, #tpu.memory_space<vmem>>, vector<512x1024xf32>
    tpu.vector_store %arg5[%swap3A_22, %swap3A_23], %add3A_21 {strides = array<i32>} : memref<512x2048xf32, #tpu.memory_space<vmem>>, vector<512x1024xf32>,
    return
  }
  func.func @transform_0(%arg0: i32) -> (i32, i32) {
    %c0_i32 = arith.constant 0 : i32
    %c0_i32_0 = arith.constant 0 : i32
    return %arg0, %c0_i32 : i32, i32
  }
  func.func @transform_1(%arg0: i32) -> (i32, i32) {
    %c0_i32 = arith.constant 0 : i32
    %c0_i32_0 = arith.constant 0 : i32
    %c0_i32_1 = arith.constant 0 : i32
    return %c0_i32, %c0_i32_0 : i32, i32
  }
  func.func @transform_2(%arg0: i32) -> (i32, i32) {
    %c0_i32 = arith.constant 0 : i32
    %c0_i32_0 = arith.constant 0 : i32
    %c0_i32_1 = arith.constant 0 : i32
    return %c0_i32, %c0_i32_0 : i32, i32
  }
  func.func @transform_3(%arg0: i32) -> (i32, i32) {
    %c0_i32 = arith.constant 0 : i32
    %c0_i32_0 = arith.constant 0 : i32
    %c0_i32_1 = arith.constant 0 : i32
    return %c0_i32, %c0_i32_0 : i32, i32
  }
  func.func @transform_4(%arg0: i32) -> (i32, i32) {
    %c0_i32 = arith.constant 0 : i32
    %c0_i32_0 = arith.constant 0 : i32
    return %arg0, %c0_i32 : i32, i32
  }
}

module attributes {stable_mosaic.version = 14 : i64} {
  func.func @_gating_kernel(%arg0: i32, %arg1: memref<1024x2048xf32, #tpu.memory_space<vmem>>, %arg2: memref<16x2048xf32, #tpu.memory_space<vmem>>, %arg3: memref<1x16xf32, #tpu.memory_space<vmem>>, %arg4: memref<16xf32, #tpu.memory_space<smem>>, %arg5: memref<8x128xf32, #tpu.memory_space<vmem>>) attributes {dimension_semantics = [#tpu.dimension_semantics<arbitrary>], iteration_bounds = array<i64: 4>, scalar_prefetch = 0 : i64, scratch_operands = 1 : i64, tpu.core_type = #tpu.core_type<tc>, window_params = [{transform_indices = @transform_0, window_bounds = array<i64: 1024, 2048>}, {pipeline_mode = #tpu.pipeline_mode<synchronous>, transform_indices = @transform_1, window_bounds = array<i64: 16, 2048>}, {pipeline_mode = #tpu.pipeline_mode<synchronous>, transform_indices = @transform_2, window_bounds = array<i64: 1, 16>}, {transform_indices = @transform_3, window_bounds = array<i64: 16>}]} {
    %get3A = arith.constant 0 : index
    %get3A_0 = arith.constant 0 : index
    %get3A_1 = vector.load %arg1[%get3A, %get3A_0] : memref<1024x2048xf32, #tpu.memory_space<vmem>>, vector<1024x2048xf32>
    %get3A_2 = arith.constant 0 : index
    %get3A_3 = arith.constant 0 : index
    %get3A_4 = vector.load %arg2[%get3A_2, %get3A_3] : memref<16x2048xf32, #tpu.memory_space<vmem>>, vector<16x2048xf32>
    %dot_general3A = arith.constant dense<0.000000e+00> : vector<1024x16xf32>
    %dot_general3A_5 = tpu.matmul %get3A_1, %get3A_4, %dot_general3A {dimension_numbers = #tpu.dot_dimension_numbers<[1], [1], [0], [0], [0, 0, 1, 0], [], []>, transpose_lhs_hint = false} : vector<1024x2048xf32>, vector<16x2048xf32>, vector<1024x16xf32> -> vector<1024x16xf32>
    %reduce_sum3A = arith.constant dense<0.000000e+00> : vector<16xf32>
    %reduce_sum3A_6 = vector.multi_reduction <add>, %dot_general3A_5, %reduce_sum3A [0] : vector<1024x16xf32> to vector<16xf32>
    %broadcast_in_dim3A = vector.shape_cast %reduce_sum3A_6 : vector<16xf32> to vector<1x16xf32>
    %eq3A = arith.constant 0 : i32
    %eq3A_7 = arith.cmpi eq, %arg0, %eq3A : i32
    %convert_element_type3A = arith.extui %eq3A_7 : i1 to i32
    %cond3A = arith.constant 0 : i32
    %cond3A_8 = arith.cmpi ne, %convert_element_type3A, %cond3A : i32
    scf.if %cond3A_8 {
      %swap3A = arith.constant 0 : index
      %swap3A_18 = arith.constant 0 : index
      %swap3A_19 = vector.load %arg5[%swap3A, %swap3A_18] : memref<8x128xf32, #tpu.memory_space<vmem>>, vector<1x16xf32>
      tpu.vector_store %arg5[%swap3A, %swap3A_18], %broadcast_in_dim3A {strides = array<i32>} : memref<8x128xf32, #tpu.memory_space<vmem>>, vector<1x16xf32>,
    } else {
    }
    %gt3A = arith.constant 0 : i32
    %gt3A_9 = arith.cmpi sgt, %arg0, %gt3A : i32
    %convert_element_type3A_10 = arith.extui %gt3A_9 : i1 to i32
    %cond3A_11 = arith.constant 0 : i32
    %cond3A_12 = arith.cmpi ne, %convert_element_type3A_10, %cond3A_11 : i32
    scf.if %cond3A_12 {
      %get3A_18 = arith.constant 0 : index
      %get3A_19 = arith.constant 0 : index
      %get3A_20 = vector.load %arg5[%get3A_18, %get3A_19] : memref<8x128xf32, #tpu.memory_space<vmem>>, vector<1x16xf32>
      %add3A = arith.addf %get3A_20, %broadcast_in_dim3A : vector<1x16xf32>
      %swap3A = arith.constant 0 : index
      %swap3A_21 = arith.constant 0 : index
      %swap3A_22 = vector.load %arg5[%swap3A, %swap3A_21] : memref<8x128xf32, #tpu.memory_space<vmem>>, vector<1x16xf32>
      tpu.vector_store %arg5[%swap3A, %swap3A_21], %add3A {strides = array<i32>} : memref<8x128xf32, #tpu.memory_space<vmem>>, vector<1x16xf32>,
    } else {
    }
    %eq3A_13 = arith.constant 3 : i32
    %eq3A_14 = arith.cmpi eq, %arg0, %eq3A_13 : i32
    %convert_element_type3A_15 = arith.extui %eq3A_14 : i1 to i32
    %cond3A_16 = arith.constant 0 : i32
    %cond3A_17 = arith.cmpi ne, %convert_element_type3A_15, %cond3A_16 : i32
    scf.if %cond3A_17 {
      %get3A_18 = arith.constant 0 : index
      %get3A_19 = arith.constant 0 : index
      %get3A_20 = vector.load %arg5[%get3A_18, %get3A_19] : memref<8x128xf32, #tpu.memory_space<vmem>>, vector<1x16xf32>
      %get3A_21 = arith.constant 0 : index
      %get3A_22 = arith.constant 0 : index
      %get3A_23 = vector.load %arg3[%get3A_21, %get3A_22] : memref<1x16xf32, #tpu.memory_space<vmem>>, vector<1x16xf32>
      %add3A = arith.addf %get3A_20, %get3A_23 : vector<1x16xf32>
      %slice3A = vector.extract_strided_slice %add3A {offsets = [0, 0], sizes = [1, 1], strides = [1, 1]} : vector<1x16xf32> to vector<1x1xf32>
      %squeeze3A = vector.extract %slice3A[0, 0] : f32 from vector<1x1xf32>
      %swap3A = arith.constant 0 : index
      %swap3A_24 = memref.load %arg4[%swap3A] : memref<16xf32, #tpu.memory_space<smem>>
      memref.store %squeeze3A, %arg4[%swap3A] : memref<16xf32, #tpu.memory_space<smem>>
      %slice3A_25 = vector.extract_strided_slice %add3A {offsets = [0, 1], sizes = [1, 1], strides = [1, 1]} : vector<1x16xf32> to vector<1x1xf32>
      %squeeze3A_26 = vector.extract %slice3A_25[0, 0] : f32 from vector<1x1xf32>
      %swap3A_27 = arith.constant 1 : index
      %swap3A_28 = memref.load %arg4[%swap3A_27] : memref<16xf32, #tpu.memory_space<smem>>
      memref.store %squeeze3A_26, %arg4[%swap3A_27] : memref<16xf32, #tpu.memory_space<smem>>
      %slice3A_29 = vector.extract_strided_slice %add3A {offsets = [0, 2], sizes = [1, 1], strides = [1, 1]} : vector<1x16xf32> to vector<1x1xf32>
      %squeeze3A_30 = vector.extract %slice3A_29[0, 0] : f32 from vector<1x1xf32>
      %swap3A_31 = arith.constant 2 : index
      %swap3A_32 = memref.load %arg4[%swap3A_31] : memref<16xf32, #tpu.memory_space<smem>>
      memref.store %squeeze3A_30, %arg4[%swap3A_31] : memref<16xf32, #tpu.memory_space<smem>>
      %slice3A_33 = vector.extract_strided_slice %add3A {offsets = [0, 3], sizes = [1, 1], strides = [1, 1]} : vector<1x16xf32> to vector<1x1xf32>
      %squeeze3A_34 = vector.extract %slice3A_33[0, 0] : f32 from vector<1x1xf32>
      %swap3A_35 = arith.constant 3 : index
      %swap3A_36 = memref.load %arg4[%swap3A_35] : memref<16xf32, #tpu.memory_space<smem>>
      memref.store %squeeze3A_34, %arg4[%swap3A_35] : memref<16xf32, #tpu.memory_space<smem>>
      %slice3A_37 = vector.extract_strided_slice %add3A {offsets = [0, 4], sizes = [1, 1], strides = [1, 1]} : vector<1x16xf32> to vector<1x1xf32>
      %squeeze3A_38 = vector.extract %slice3A_37[0, 0] : f32 from vector<1x1xf32>
      %swap3A_39 = arith.constant 4 : index
      %swap3A_40 = memref.load %arg4[%swap3A_39] : memref<16xf32, #tpu.memory_space<smem>>
      memref.store %squeeze3A_38, %arg4[%swap3A_39] : memref<16xf32, #tpu.memory_space<smem>>
      %slice3A_41 = vector.extract_strided_slice %add3A {offsets = [0, 5], sizes = [1, 1], strides = [1, 1]} : vector<1x16xf32> to vector<1x1xf32>
      %squeeze3A_42 = vector.extract %slice3A_41[0, 0] : f32 from vector<1x1xf32>
      %swap3A_43 = arith.constant 5 : index
      %swap3A_44 = memref.load %arg4[%swap3A_43] : memref<16xf32, #tpu.memory_space<smem>>
      memref.store %squeeze3A_42, %arg4[%swap3A_43] : memref<16xf32, #tpu.memory_space<smem>>
      %slice3A_45 = vector.extract_strided_slice %add3A {offsets = [0, 6], sizes = [1, 1], strides = [1, 1]} : vector<1x16xf32> to vector<1x1xf32>
      %squeeze3A_46 = vector.extract %slice3A_45[0, 0] : f32 from vector<1x1xf32>
      %swap3A_47 = arith.constant 6 : index
      %swap3A_48 = memref.load %arg4[%swap3A_47] : memref<16xf32, #tpu.memory_space<smem>>
      memref.store %squeeze3A_46, %arg4[%swap3A_47] : memref<16xf32, #tpu.memory_space<smem>>
      %slice3A_49 = vector.extract_strided_slice %add3A {offsets = [0, 7], sizes = [1, 1], strides = [1, 1]} : vector<1x16xf32> to vector<1x1xf32>
      %squeeze3A_50 = vector.extract %slice3A_49[0, 0] : f32 from vector<1x1xf32>
      %swap3A_51 = arith.constant 7 : index
      %swap3A_52 = memref.load %arg4[%swap3A_51] : memref<16xf32, #tpu.memory_space<smem>>
      memref.store %squeeze3A_50, %arg4[%swap3A_51] : memref<16xf32, #tpu.memory_space<smem>>
      %slice3A_53 = vector.extract_strided_slice %add3A {offsets = [0, 8], sizes = [1, 1], strides = [1, 1]} : vector<1x16xf32> to vector<1x1xf32>
      %squeeze3A_54 = vector.extract %slice3A_53[0, 0] : f32 from vector<1x1xf32>
      %swap3A_55 = arith.constant 8 : index
      %swap3A_56 = memref.load %arg4[%swap3A_55] : memref<16xf32, #tpu.memory_space<smem>>
      memref.store %squeeze3A_54, %arg4[%swap3A_55] : memref<16xf32, #tpu.memory_space<smem>>
      %slice3A_57 = vector.extract_strided_slice %add3A {offsets = [0, 9], sizes = [1, 1], strides = [1, 1]} : vector<1x16xf32> to vector<1x1xf32>
      %squeeze3A_58 = vector.extract %slice3A_57[0, 0] : f32 from vector<1x1xf32>
      %swap3A_59 = arith.constant 9 : index
      %swap3A_60 = memref.load %arg4[%swap3A_59] : memref<16xf32, #tpu.memory_space<smem>>
      memref.store %squeeze3A_58, %arg4[%swap3A_59] : memref<16xf32, #tpu.memory_space<smem>>
      %slice3A_61 = vector.extract_strided_slice %add3A {offsets = [0, 10], sizes = [1, 1], strides = [1, 1]} : vector<1x16xf32> to vector<1x1xf32>
      %squeeze3A_62 = vector.extract %slice3A_61[0, 0] : f32 from vector<1x1xf32>
      %swap3A_63 = arith.constant 10 : index
      %swap3A_64 = memref.load %arg4[%swap3A_63] : memref<16xf32, #tpu.memory_space<smem>>
      memref.store %squeeze3A_62, %arg4[%swap3A_63] : memref<16xf32, #tpu.memory_space<smem>>
      %slice3A_65 = vector.extract_strided_slice %add3A {offsets = [0, 11], sizes = [1, 1], strides = [1, 1]} : vector<1x16xf32> to vector<1x1xf32>
      %squeeze3A_66 = vector.extract %slice3A_65[0, 0] : f32 from vector<1x1xf32>
      %swap3A_67 = arith.constant 11 : index
      %swap3A_68 = memref.load %arg4[%swap3A_67] : memref<16xf32, #tpu.memory_space<smem>>
      memref.store %squeeze3A_66, %arg4[%swap3A_67] : memref<16xf32, #tpu.memory_space<smem>>
      %slice3A_69 = vector.extract_strided_slice %add3A {offsets = [0, 12], sizes = [1, 1], strides = [1, 1]} : vector<1x16xf32> to vector<1x1xf32>
      %squeeze3A_70 = vector.extract %slice3A_69[0, 0] : f32 from vector<1x1xf32>
      %swap3A_71 = arith.constant 12 : index
      %swap3A_72 = memref.load %arg4[%swap3A_71] : memref<16xf32, #tpu.memory_space<smem>>
      memref.store %squeeze3A_70, %arg4[%swap3A_71] : memref<16xf32, #tpu.memory_space<smem>>
      %slice3A_73 = vector.extract_strided_slice %add3A {offsets = [0, 13], sizes = [1, 1], strides = [1, 1]} : vector<1x16xf32> to vector<1x1xf32>
      %squeeze3A_74 = vector.extract %slice3A_73[0, 0] : f32 from vector<1x1xf32>
      %swap3A_75 = arith.constant 13 : index
      %swap3A_76 = memref.load %arg4[%swap3A_75] : memref<16xf32, #tpu.memory_space<smem>>
      memref.store %squeeze3A_74, %arg4[%swap3A_75] : memref<16xf32, #tpu.memory_space<smem>>
      %slice3A_77 = vector.extract_strided_slice %add3A {offsets = [0, 14], sizes = [1, 1], strides = [1, 1]} : vector<1x16xf32> to vector<1x1xf32>
      %squeeze3A_78 = vector.extract %slice3A_77[0, 0] : f32 from vector<1x1xf32>
      %swap3A_79 = arith.constant 14 : index
      %swap3A_80 = memref.load %arg4[%swap3A_79] : memref<16xf32, #tpu.memory_space<smem>>
      memref.store %squeeze3A_78, %arg4[%swap3A_79] : memref<16xf32, #tpu.memory_space<smem>>
      %slice3A_81 = vector.extract_strided_slice %add3A {offsets = [0, 15], sizes = [1, 1], strides = [1, 1]} : vector<1x16xf32> to vector<1x1xf32>
      %squeeze3A_82 = vector.extract %slice3A_81[0, 0] : f32 from vector<1x1xf32>
      %swap3A_83 = arith.constant 15 : index
      %swap3A_84 = memref.load %arg4[%swap3A_83] : memref<16xf32, #tpu.memory_space<smem>>
      memref.store %squeeze3A_82, %arg4[%swap3A_83] : memref<16xf32, #tpu.memory_space<smem>>
    } else {
    }
    return
  }
  func.func @transform_0(%arg0: i32) -> (i32, i32) {
    %c0_i32 = arith.constant 0 : i32
    %c0_i32_0 = arith.constant 0 : i32
    return %arg0, %c0_i32 : i32, i32
  }
  func.func @transform_1(%arg0: i32) -> (i32, i32) {
    %c0_i32 = arith.constant 0 : i32
    %c0_i32_0 = arith.constant 0 : i32
    %c0_i32_1 = arith.constant 0 : i32
    return %c0_i32, %c0_i32_0 : i32, i32
  }
  func.func @transform_2(%arg0: i32) -> (i32, i32) {
    %c0_i32 = arith.constant 0 : i32
    %c0_i32_0 = arith.constant 0 : i32
    %c0_i32_1 = arith.constant 0 : i32
    return %c0_i32, %c0_i32_0 : i32, i32
  }
  func.func @transform_3(%arg0: i32) -> i32 {
    %c0_i32 = arith.constant 0 : i32
    %c0_i32_0 = arith.constant 0 : i32
    return %c0_i32 : i32
  }
}

module attributes {stable_mosaic.version = 14 : i64} {
  func.func @_collapse_kernel(%arg0: i32, %arg1: i32, %arg2: memref<16xi32, #tpu.memory_space<smem>>, %arg3: memref<2048x1024xf32, #tpu.memory_space<vmem>>, %arg4: memref<1024x1024xf32, #tpu.memory_space<vmem>>, %arg5: memref<2048x1024xbf16, #tpu.memory_space<vmem>>, %arg6: memref<2048x1024xbf16, #tpu.memory_space<vmem>>, %arg7: memref<2048x1024xbf16, #tpu.memory_space<vmem>>) attributes {dimension_semantics = [#tpu.dimension_semantics<arbitrary>, #tpu.dimension_semantics<arbitrary>], iteration_bounds = array<i64: 2, 2>, scalar_prefetch = 1 : i64, scratch_operands = 1 : i64, tpu.core_type = #tpu.core_type<tc>, window_params = [{transform_indices = @transform_0, window_bounds = array<i64: 2048, 1024>}, {transform_indices = @transform_1, window_bounds = array<i64: 1024, 1024>}, {pipeline_mode = #tpu.pipeline_mode<synchronous>, transform_indices = @transform_2, window_bounds = array<i64: 2048, 1024>}, {pipeline_mode = #tpu.pipeline_mode<synchronous>, transform_indices = @transform_3, window_bounds = array<i64: 2048, 1024>}]} {
    %eq3A = arith.constant 0 : i32
    %eq3A_0 = arith.cmpi eq, %arg1, %eq3A : i32
    %convert_element_type3A = arith.extui %eq3A_0 : i1 to i32
    %cond3A = arith.constant 0 : i32
    %cond3A_1 = arith.cmpi ne, %convert_element_type3A, %cond3A : i32
    scf.if %cond3A_1 {
      %get3A_39 = arith.constant 0 : index
      %get3A_40 = arith.constant 0 : index
      %get3A_41 = vector.load %arg3[%get3A_39, %get3A_40] : memref<2048x1024xf32, #tpu.memory_space<vmem>>, vector<2048x1024xf32>
      %convert_element_type3A_42 = arith.truncf %get3A_41 : vector<2048x1024xf32> to vector<2048x1024xbf16>
      %swap3A = arith.constant 0 : index
      %swap3A_43 = arith.constant 0 : index
      %swap3A_44 = vector.load %arg7[%swap3A, %swap3A_43] : memref<2048x1024xbf16, #tpu.memory_space<vmem>>, vector<2048x1024xbf16>
      tpu.vector_store %arg7[%swap3A, %swap3A_43], %convert_element_type3A_42 {strides = array<i32>} : memref<2048x1024xbf16, #tpu.memory_space<vmem>>, vector<2048x1024xbf16>,
    } else {
    }
    %get3A = arith.constant 0 : index
    %get3A_2 = arith.constant 0 : index
    %get3A_3 = vector.load %arg7[%get3A, %get3A_2] : memref<2048x1024xbf16, #tpu.memory_space<vmem>>, vector<2048x1024xbf16>
    %get3A_4 = arith.constant 0 : index
    %get3A_5 = arith.constant 0 : index
    %get3A_6 = vector.load %arg4[%get3A_4, %get3A_5] : memref<1024x1024xf32, #tpu.memory_space<vmem>>, vector<1024x1024xf32>
    %convert_element_type3A_7 = arith.truncf %get3A_6 : vector<1024x1024xf32> to vector<1024x1024xbf16>
    %dot_general3A = arith.constant dense<0.000000e+00> : vector<2048x1024xf32>
    %dot_general3A_8 = tpu.matmul %get3A_3, %convert_element_type3A_7, %dot_general3A {dimension_numbers = #tpu.dot_dimension_numbers<[1], [1], [0], [0], [0, 0, 1, 0], [], []>, transpose_lhs_hint = false} : vector<2048x1024xbf16>, vector<1024x1024xbf16>, vector<2048x1024xf32> -> vector<2048x1024xf32>
    %eq3A_9 = arith.constant 0 : i32
    %eq3A_10 = arith.cmpi eq, %arg0, %eq3A_9 : i32
    %eq3A_11 = arith.constant 0 : i32
    %eq3A_12 = arith.cmpi eq, %arg1, %eq3A_11 : i32
    %and3A = arith.andi %eq3A_10, %eq3A_12 : i1
    %convert_element_type3A_13 = arith.extui %and3A : i1 to i32
    %cond3A_14 = arith.constant 0 : i32
    %cond3A_15 = arith.cmpi ne, %convert_element_type3A_13, %cond3A_14 : i32
    scf.if %cond3A_15 {
      %convert_element_type3A_39 = arith.truncf %dot_general3A_8 : vector<2048x1024xf32> to vector<2048x1024xbf16>
      %swap3A = arith.constant 0 : index
      %swap3A_40 = arith.constant 0 : index
      %swap3A_41 = vector.load %arg5[%swap3A, %swap3A_40] : memref<2048x1024xbf16, #tpu.memory_space<vmem>>, vector<2048x1024xbf16>
      tpu.vector_store %arg5[%swap3A, %swap3A_40], %convert_element_type3A_39 {strides = array<i32>} : memref<2048x1024xbf16, #tpu.memory_space<vmem>>, vector<2048x1024xbf16>,
    } else {
    }
    %eq3A_16 = arith.constant 0 : i32
    %eq3A_17 = arith.cmpi eq, %arg0, %eq3A_16 : i32
    %gt3A = arith.constant 0 : i32
    %gt3A_18 = arith.cmpi sgt, %arg1, %gt3A : i32
    %and3A_19 = arith.andi %eq3A_17, %gt3A_18 : i1
    %convert_element_type3A_20 = arith.extui %and3A_19 : i1 to i32
    %cond3A_21 = arith.constant 0 : i32
    %cond3A_22 = arith.cmpi ne, %convert_element_type3A_20, %cond3A_21 : i32
    scf.if %cond3A_22 {
      %convert_element_type3A_39 = arith.truncf %dot_general3A_8 : vector<2048x1024xf32> to vector<2048x1024xbf16>
      %swap3A = arith.constant 0 : index
      %swap3A_40 = arith.constant 0 : index
      %swap3A_41 = vector.load %arg6[%swap3A, %swap3A_40] : memref<2048x1024xbf16, #tpu.memory_space<vmem>>, vector<2048x1024xbf16>
      tpu.vector_store %arg6[%swap3A, %swap3A_40], %convert_element_type3A_39 {strides = array<i32>} : memref<2048x1024xbf16, #tpu.memory_space<vmem>>, vector<2048x1024xbf16>,
    } else {
    }
    %gt3A_23 = arith.constant 0 : i32
    %gt3A_24 = arith.cmpi sgt, %arg0, %gt3A_23 : i32
    %eq3A_25 = arith.constant 0 : i32
    %eq3A_26 = arith.cmpi eq, %arg1, %eq3A_25 : i32
    %and3A_27 = arith.andi %gt3A_24, %eq3A_26 : i1
    %convert_element_type3A_28 = arith.extui %and3A_27 : i1 to i32
    %cond3A_29 = arith.constant 0 : i32
    %cond3A_30 = arith.cmpi ne, %convert_element_type3A_28, %cond3A_29 : i32
    scf.if %cond3A_30 {
      %get3A_39 = arith.constant 0 : index
      %get3A_40 = arith.constant 0 : index
      %get3A_41 = vector.load %arg5[%get3A_39, %get3A_40] : memref<2048x1024xbf16, #tpu.memory_space<vmem>>, vector<2048x1024xbf16>
      %convert_element_type3A_42 = arith.extf %get3A_41 : vector<2048x1024xbf16> to vector<2048x1024xf32>
      %add3A = arith.addf %convert_element_type3A_42, %dot_general3A_8 : vector<2048x1024xf32>
      %convert_element_type3A_43 = arith.truncf %add3A : vector<2048x1024xf32> to vector<2048x1024xbf16>
      %swap3A = arith.constant 0 : index
      %swap3A_44 = arith.constant 0 : index
      %swap3A_45 = vector.load %arg5[%swap3A, %swap3A_44] : memref<2048x1024xbf16, #tpu.memory_space<vmem>>, vector<2048x1024xbf16>
      tpu.vector_store %arg5[%swap3A, %swap3A_44], %convert_element_type3A_43 {strides = array<i32>} : memref<2048x1024xbf16, #tpu.memory_space<vmem>>, vector<2048x1024xbf16>,
    } else {
    }
    %gt3A_31 = arith.constant 0 : i32
    %gt3A_32 = arith.cmpi sgt, %arg0, %gt3A_31 : i32
    %gt3A_33 = arith.constant 0 : i32
    %gt3A_34 = arith.cmpi sgt, %arg1, %gt3A_33 : i32
    %and3A_35 = arith.andi %gt3A_32, %gt3A_34 : i1
    %convert_element_type3A_36 = arith.extui %and3A_35 : i1 to i32
    %cond3A_37 = arith.constant 0 : i32
    %cond3A_38 = arith.cmpi ne, %convert_element_type3A_36, %cond3A_37 : i32
    scf.if %cond3A_38 {
      %get3A_39 = arith.constant 0 : index
      %get3A_40 = arith.constant 0 : index
      %get3A_41 = vector.load %arg6[%get3A_39, %get3A_40] : memref<2048x1024xbf16, #tpu.memory_space<vmem>>, vector<2048x1024xbf16>
      %convert_element_type3A_42 = arith.extf %get3A_41 : vector<2048x1024xbf16> to vector<2048x1024xf32>
      %add3A = arith.addf %convert_element_type3A_42, %dot_general3A_8 : vector<2048x1024xf32>
      %convert_element_type3A_43 = arith.truncf %add3A : vector<2048x1024xf32> to vector<2048x1024xbf16>
      %swap3A = arith.constant 0 : index
      %swap3A_44 = arith.constant 0 : index
      %swap3A_45 = vector.load %arg6[%swap3A, %swap3A_44] : memref<2048x1024xbf16, #tpu.memory_space<vmem>>, vector<2048x1024xbf16>
      tpu.vector_store %arg6[%swap3A, %swap3A_44], %convert_element_type3A_43 {strides = array<i32>} : memref<2048x1024xbf16, #tpu.memory_space<vmem>>, vector<2048x1024xbf16>,
    } else {
    }
    return
  }
  func.func @transform_0(%arg0: i32, %arg1: i32, %arg2: memref<16xi32, #tpu.memory_space<smem>>) -> (i32, i32) {
    %get3A = arith.index_cast %arg0 : i32 to index
    %get3A_0 = memref.load %arg2[%get3A] : memref<16xi32, #tpu.memory_space<smem>>
    %c0_i32 = arith.constant 0 : i32
    %c0_i32_1 = arith.constant 0 : i32
    return %c0_i32, %get3A_0 : i32, i32
  }
  func.func @transform_1(%arg0: i32, %arg1: i32, %arg2: memref<16xi32, #tpu.memory_space<smem>>) -> (i32, i32) {
    %get3A = arith.index_cast %arg0 : i32 to index
    %get3A_0 = memref.load %arg2[%get3A] : memref<16xi32, #tpu.memory_space<smem>>
    %c0_i32 = arith.constant 0 : i32
    return %arg1, %get3A_0 : i32, i32
  }
  func.func @transform_2(%arg0: i32, %arg1: i32, %arg2: memref<16xi32, #tpu.memory_space<smem>>) -> (i32, i32) {
    %c0_i32 = arith.constant 0 : i32
    %c0_i32_0 = arith.constant 0 : i32
    %c0_i32_1 = arith.constant 0 : i32
    return %c0_i32, %c0_i32_0 : i32, i32
  }
  func.func @transform_3(%arg0: i32, %arg1: i32, %arg2: memref<16xi32, #tpu.memory_space<smem>>) -> (i32, i32) {
    %c0_i32 = arith.constant 0 : i32
    %c0_i32_0 = arith.constant 0 : i32
    %c0_i32_1 = arith.constant 0 : i32
    return %c0_i32, %c0_i32_0 : i32, i32
  }
}

</mosaic_0001>

<sc_bundles>
// kernel: kernel.6.cloned.1.call-start
scs
__scs_entry_jumppad:
0x0: {  	(pc) =	sbr.rel $0x88, $3  }
0x1: {  	(tag) =	ssettag $0x0;
	lr =	simm.s32 $0x1  }
0x2: {  	[smem:$0x3F9B] =	sst lr;
	_ =	strace $0xD0000000  }
0x3: {  	_ = 	snop  }
0x4: {  	_ = 	snop  }
0x5: {  	_ = 	snop  }
0x6: {  	_ = 	snop  }
0x7: {  	_ = 	snop  }
__scs_overlays_trampoline_lowered:
0x8: {  	[smem:$0x3FAA] =	sst s0  }
0x9: {  	[smem:$0x3FAB] =	sst s1  }
0xa: {  	[smem:$0x3FAC] =	sst s2  }
0xb: {  	[smem:$0x3FAD] =	sst s3  }
0xc: {  	[smem:$0x3FAE] =	sst s4  }
0xd: {  	[smem:$0x3FAF] =	sst s5  }
0xe: {  	[smem:$0x3FB0] =	sst s6  }
0xf: {  	[smem:$0x3FB1] =	sst s7  }
0x10: {  	[smem:$0x3FB2] =	sst s8  }
0x11: {  	[smem:$0x3FB3] =	sst s9;
	s0 =	simm.s32 @!p0 $0x0  }
0x12: {  	s1 =	sld [smem:$0x3F99];
	s0 =	simm.s32 @p0 $0x1  }
0x13: {  	[smem:$0x3FB4] =	sst s0;
	s0 =	simm.s32 @!p1 $0x0  }
0x14: {  	s2 =	sld [smem:$0x3F98];
	s0 =	simm.s32 @p1 $0x1  }
0x15: {  	[smem:$0x3FB5] =	sst s0;
	s0 =	simm.s32 @!p2 $0x0  }
0x16: {  	s3 =	sld [smem:$0x3FDB];
	s0 =	simm.s32 @p2 $0x1  }
0x17: {  	s4 =	simm.s32 $0x1BF5;
	[smem:$0x3FB7] =	sst s0  }
0x18: {  	s0 =	sld [smem:$0x3F9A];
	_ =	swait.ge [sflag:s4], $0x0  }
0x19: {  	s7 =	sld [smem:$0x3F9B]  }
0x1a: {  	s8 =	sadd.s32 $0xFFFFE003, lr  }
0x1b: {  	s9 =	sadd.s32 $0xFFFFFEF7, lr;
	s5 =	simm.s32 $0xFFFFFFFF;
	p2 =	slt.u32 s8, $0xFFFFF086  }
0x1c: {  	p1 =	slt.u32 s9, $0xF7A;
	s5 =	simm.s32 @!p2 $0x0  }
0x1d: {  	s5 =	simm.s32 @p1 $0x1;
	p0 =	seq.s32 s7, s2  }
0x1e: {  	s7 =	smul.u32 @!p0 $0xF7A, s2;
	p2 =	seq.s32 @!p0 s5, $0x0  }
0x1f: {  	s9 =	smul.u32 $0xF7A, s1;
	s8 =	simm.s32 @!p0 $0x1BF5;
	p2 =	por !p2, p0  }
0x20: {  	[sflag:s8] =	ssyncset.s32 @!p0 $0xFFFFF086;
	s6 =	sadd.s32 @!p0 s3, s7;
	s7 =	simm.s32 @!p0 $0x108  }
0x21: {  	s3 =	sadd.s32 s3, s9;
	s6 =	sadd.s32 @!p0 $0x88, s6;
	s7 =	simm.s32 @p2 $0x1082  }
0x22: {  	[simem:s7], [sflag:s8] =	dma.local @!p0 [hbm:s6], $0xF7A  }
0x23: {  	s9 =	sor.u32 $0xD0000000, s2;
	s6 =	simm.s32 $0x108;
	_ =	swait.ge @!p0 [sflag:s8], $0x0  }
0x24: {  	s3 =	sadd.s32 $0x88, s3;
	s6 =	simm.s32 @!p1 $0x1082;
	[sflag:s4] =	ssyncset.s32 $0xFFFFF086  }
0x25: {  	[simem:s6], [sflag:s4] =	dma.local [hbm:s3], $0xF7A  }
0x26: {  	[smem:$0x3F9B] =	sst s1;
	(tag) =	ssettag s2;
	_ =	strace s9  }
0x27: {  	s1 =	sld [smem:$0x3FAB]  }
0x28: {  	s2 =	sld [smem:$0x3FAC]  }
0x29: {  	s4 =	sld [smem:$0x3FAE]  }
0x2a: {  	p0 =	seq.s32 s5, $0x0;
	s5 =	sld [smem:$0x3FAF]  }
0x2b: {  	s6 =	sld [smem:$0x3FB0]  }
0x2c: {  	s7 =	sld [smem:$0x3FB1]  }
0x2d: {  	s3 =	simm.s32 $0x108;
	s8 =	sld [smem:$0x3FB2]  }
0x2e: {  	s3 =	simm.s32 @!p0 $0x1082;
	s9 =	sld [smem:$0x3FB3]  }
0x2f: {  	lr =	sadd.s32 s0, s3;
	s0 =	sld [smem:$0x3FAA]  }
0x30: {  	s3 =	sld [smem:$0x3FAD]  }
0x31: {  	[smem:$0x3FB6] =	sst s10  }
0x32: {  	s10 =	sld [smem:$0x3FB4];
	_ =	sdelay $0x3  }
0x33: {  	p0 =	seq.s32 s10, $0x1;
	s10 =	sld [smem:$0x3FB6];
	_ =	sdelay $0x3  }
0x34: {  	[smem:$0x3FB6] =	sst s10  }
0x35: {  	s10 =	sld [smem:$0x3FB5];
	_ =	sdelay $0x3  }
0x36: {  	p1 =	seq.s32 s10, $0x1;
	s10 =	sld [smem:$0x3FB6];
	_ =	sdelay $0x3  }
0x37: {  	[smem:$0x3FB6] =	sst s10  }
0x38: {  	s10 =	sld [smem:$0x3FB7]  }
0x39: {  	_ = 	snop;
	(pc) =	sbr.ind lr, $3  }
0x3a: {  	_ = 	snop  }
0x3b: {  	_ = 	snop  }
0x3c: {  	p2 =	seq.s32 s10, $0x1;
	s10 =	sld [smem:$0x3FB6]  }
0x3d: {  	_ =	shalt  }
0x3e: {  	_ =	shalt  }
0x3f: {  	_ =	shalt  }
0x40: {  	_ =	shalt  }
0x41: {  	_ =	shalt  }
0x42: {  	_ =	shalt  }
0x43: {  	_ =	shalt  }
0x44: {  	_ =	shalt  }
0x45: {  	_ =	shalt  }
0x46: {  	_ =	shalt  }
0x47: {  	_ =	shalt  }
0x48: {  	_ =	shalt  }
0x49: {  	_ =	shalt  }
0x4a: {  	_ =	shalt  }
0x4b: {  	_ =	shalt  }
0x4c: {  	_ =	shalt  }
0x4d: {  	_ =	shalt  }
0x4e: {  	_ =	shalt  }
0x4f: {  	_ =	shalt  }
0x50: {  	_ =	shalt  }
0x51: {  	_ =	shalt  }
0x52: {  	_ =	shalt  }
0x53: {  	_ =	shalt  }
0x54: {  	_ =	shalt  }
0x55: {  	_ =	shalt  }
0x56: {  	_ =	shalt  }
0x57: {  	_ =	shalt  }
0x58: {  	_ =	shalt  }
0x59: {  	_ =	shalt  }
0x5a: {  	_ =	shalt  }
0x5b: {  	_ =	shalt  }
0x5c: {  	_ =	shalt  }
0x5d: {  	_ =	shalt  }
0x5e: {  	_ =	shalt  }
0x5f: {  	_ =	shalt  }
0x60: {  	_ =	shalt  }
0x61: {  	_ =	shalt  }
0x62: {  	_ =	shalt  }
0x63: {  	_ =	shalt  }
0x64: {  	_ =	shalt  }
0x65: {  	_ =	shalt  }
0x66: {  	_ =	shalt  }
0x67: {  	_ =	shalt  }
0x68: {  	_ =	shalt  }
0x69: {  	_ =	shalt  }
0x6a: {  	_ =	shalt  }
0x6b: {  	_ =	shalt  }
0x6c: {  	_ =	shalt  }
0x6d: {  	_ =	shalt  }
0x6e: {  	_ =	shalt  }
0x6f: {  	_ =	shalt  }
0x70: {  	_ =	shalt  }
0x71: {  	_ =	shalt  }
0x72: {  	_ =	shalt  }
0x73: {  	_ =	shalt  }
0x74: {  	_ =	shalt  }
0x75: {  	_ =	shalt  }
0x76: {  	_ =	shalt  }
0x77: {  	_ =	shalt  }
0x78: {  	_ =	shalt  }
0x79: {  	_ =	shalt  }
0x7a: {  	_ =	shalt  }
0x7b: {  	_ =	shalt  }
0x7c: {  	_ =	shalt  }
0x7d: {  	_ =	shalt  }
0x7e: {  	_ =	shalt  }
0x7f: {  	_ =	shalt  }
0x80: {  	_ =	shalt  }
0x81: {  	_ =	shalt  }
0x82: {  	_ =	shalt  }
0x83: {  	_ =	shalt  }
0x84: {  	_ =	shalt  }
0x85: {  	_ =	shalt  }
0x86: {  	_ =	shalt  }
0x87: {  	_ =	shalt  }
.Lfunc_end0:
.L_simem_size_0:
called_computation_lowered:
.L_overlay_start_0:
0x88: {  	s2 =	sld [smem:$0x3FD9]  }
0x89: {  	s3 =	sld [smem:$0x3FFE];
	_ =	sdelay $0x1  }
0x8a: {  	s1 =	srdreg.scid  }
0x8b: {  	s0 =	sand.u32 $0x1, s1  }
0x8c: {  	s17 =	sshll.u32 s0, $0xA;
	s2 =	sadd.s32 s3, s2  }
0x8d: {  	s2 =	sadd.s32 s2, s17  }
0x8e: {  	[smem:$0x3FC2] =	sst s2  }
0x8f: {  	_ = 	snop  }
0x90: {  	s2 =	sld [smem:$0x3FD0];
	(tm) =	ssettm $0x1  }
0x91: {  	s18 =	sld [smem:$0x3FFB];
	_ =	sdelay $0x3  }
0x92: {  	_ =	strace s18  }
0x93: {  	s3 =	sld [smem:$0x3FFC];
	_ =	sdelay $0x3  }
0x94: {  	_ =	strace s3  }
0x95: {  	s3 =	sld [smem:$0x3FFD];
	_ =	sdelay $0x3  }
0x96: {  	_ =	strace s3  }
0x97: {  	_ =	strace $0x8FFFFFFF  }
0x98: {  	s19 =	sld [smem:$0x3FDB];
	_ =	sdelay $0x1  }
0x99: {  	s4 =	simm.s32 $_scs_section_size  }
0x9a: {  	s5 =	simm.s32 $_size__tile_overlayer_lowered;
	s6 =	simm.s32 $_tile_overlayer_lowered  }
0x9b: {  	s22 =	simm.s32 $0x1BFF;
	s21 =	sshll.u32 s6, $0x1;
	s3 =	sadd.s32 s4, s19  }
0x9c: {  	s7 =	simm.s32 $0x0;
	s20 =	sshll.u32 s5, $0x1;
	s5 =	sadd.s32 s21, s3  }
0x9d: {  	[timem:s7], [sflag:s22] =	dma.local [hbm:s5], s20  }
0x9e: {  	_ =	swait.ge [sflag:s22], s20  }
0x9f: {  	s4 =	ssub.s32 $0x0, s20;
	[sflag:s22] =	ssyncset.done $0x0  }
0xa0: {  	[sflag:s22] =	ssyncadd.s32 s4;
	_ =	sdelay $0x1  }
0xa1: {  	s23 =	simm.s32 $0x1B8B  }
0xa2: {  	_ =	swait.ge [sflag:s23], $0x1  }
0xa3: {  	[sflag:s23] =	ssyncset.done $0x0  }
0xa4: {  	s25 =	simm.s32 $0x1B8E;
	s24 =	sld [smem:$0x3FFE];
	[sflag:s23] =	ssyncadd.s32 $0xFFFFFFFF  }
0xa5: {  	s26 =	simm.s32 $execute0_lowered;
	[smem:$0x3FD2] =	sst s25  }
0xa6: {  	s5 =	sshll.u32 s26, $0x1;
	_ =	strace $0x80000046;
	[dreg:$0x1] =	wrdreg $0xFFFFFFFF  }
0xa7: {  	s28 =	simm.s32 $_size_execute0_lowered;
	s3 =	sadd.s32 s3, s5;
	[dreg:$0x0] =	wrdreg $0x0  }
0xa8: {  	s5 =	sshll.u32 s28, $0x1;
	[dreg:$0x2] =	wrdreg s3  }
0xa9: {  	[dreg:$0x3] =	wrdreg s5  }
0xaa: {  	[dreg:$0x4] =	wrdreg $0xC0  }
0xab: {  	_ =	task [dreg:s7], $0x5FFFF  }
0xac: {  	[dreg:$0x1] =	wrdreg $0xFFFFFFFF  }
0xad: {  	[dreg:$0x0] =	wrdreg $0x60  }
0xae: {  	[dreg:$0x2] =	wrdreg s2  }
0xaf: {  	[dreg:$0x3] =	wrdreg s24  }
0xb0: {  	[dreg:$0x4] =	wrdreg $0x9  }
0xb1: {  	_ =	task.clear_ibuf [dreg:s7], $0x5FFFF;
	_ =	strace $0x90000046  }
0xb2: {  	s29 =	simm.s32 $0x9;
	_ =	strace $0x80000048  }
0xb3: {  	_ =	swait.ge [sflag:s29], $0x1  }
0xb4: {  	[sflag:s29] =	ssyncadd.s32 $0xFFFFFFFF  }
0xb5: {  	_ =	strace $0x90000048  }
0xb6: {  	_ =	sfence  }
0xb7: {  	s30 =	sld [smem:$0x0];
	_ =	sdelay $0x2  }
0xb8: {  	s31 =	sshll.u32 s1, $0xD;
	s1 =	sshrl.u32 s1, $0x2  }
0xb9: {  	s3 =	sand.u32 $0x4000, s31;
	s1 =	sadd.s32 s1, s30  }
0xba: {  	s0 =	sor.u32 s3, s0;
	s1 =	sshll.u32 s1, $0x11  }
0xbb: {  	s0 =	sor.u32 s1, s0  }
0xbc: {  	s0 =	sadd.s32 $0x8F2B, s0  }
0xbd: {  	[sflag:s0] =	ssyncadd.remote.s32 $0x1  }
0xbe: {  	_ =	sfence.sel $0xFFFF  }
0xbf: {  	[dreg:$0x0] =	wrdreg $0xFFFFFFFF;
	(pc) =	sbr.abs _section_cstart, $3  }
0xc0: {  	[dreg:$0x1] =	wrdreg $0xFFFFFFFF  }
0xc1: {  	_ =	task.clear_ibuf [dreg:s7], $0x2FFFF;
	_ =	strace $0x9FFFFFFF  }
0xc2: {  	(tm) =	ssettm $0x7FFFFFFF  }
0xc3: {  	_ =	shalt  }
tec
execute0_lowered:
.L_overlay_start_1:
0x0: {  	(tag) =	ssettag $0x1  }
0x1: {  	s0 =	rddreg [dreg:$0x0];
	s1 =	srdreg.scid  }
0x2: {  	[dreg:$0x3] =	wrdreg s0;
	s6 =	sand.u32 $0x1, s1;
	s0 =	stileid.u32  }
0x3: {  	s3 =	sor.u32 s0, s6  }
0x4: {  	p0 =	sne.s32 s3, $0x0  }
.Ltmp0:
0x5: {  	_ = 	snop;
	(pc) =	sbr.rel @p0 .LBB2_4-.Ltmp0, $3  }
0x6: {  	_ =	sdelay $0x1  }
0x7: {  	s2 =	rddreg [dreg:$0x1]  }
0x8: {  	s1 =	rddreg [dreg:$0x2];
	_ =	strace $0x80000047  }
0x9: {  	s2 =	sadd.s32 $0x1000, s2;
	s4 =	rddreg [dreg:$0x3]  }
0xa: {  	s5 =	simm.s32 $0x80;
	[dreg:$0x4] =	wrdreg s2  }
0xb: {  	s3 =	simm.s32 $0x0;
	s2 =	simm.s32 $0x1;
	[dreg:$0x5] =	wrdreg s5  }
0xc: {  	[tilespmem:s3], [sflag:$0x1] =	stream.linear.gather [hbm4b:s4+s3], $0x80, $0x38;
	[tilespmem:$0x100] =	vst v63  }
0xd: {  	_ =	swait.ge [sflag:s2], $0x80  }
0xe: {  	[sflag:s2] =	ssyncset.done $0x0  }
0xf: {  	[sflag:s2] =	ssyncadd.s32 $0xFFFFFF80  }
0x10: {  	v0 =	vld [tilespmem:$0x0];
	_ =	sdelay $0x4  }
0x11: {  	(v2sf) =	vpush v0, $0x4  }
0x12: {  	(v2sf) =	vpush v0, $0x0  }
0x13: {  	(v2sf) =	vpush v0, $0x1;
	_ =	sdelay $0x2  }
0x14: {  	(v2sf) =	vpush v0, $0x2;
	_ =	sdelay $0x3  }
0x15: {  	(v2sf) =	vpush v0, $0x3;
	_ =	sdelay $0x3  }
0x16: {  	(v2sf) =	vpush v0, $0x5;
	_ =	sdelay $0x1  }
0x17: {  	s7 =	spop (v2sf)  }
0x18: {  	s5 =	spop (v2sf)  }
0x19: {  	s4 =	spop (v2sf)  }
0x1a: {  	p0 =	sgt.f32 s4, s5  }
0x1b: {  	(v2sf) =	vpush v0, $0xB;
	s10 =	smov.u32 s5  }
0x1c: {  	(v2sf) =	vpush v0, $0x7;
	s8 =	spop (v2sf);
	s10 =	smov.u32 @p0 s4;
	s4 =	smov.u32 @p0 s5  }
0x1d: {  	s12 =	simm.s32 $0x1;
	(v2sf) =	vpush v0, $0x6;
	p2 =	sgt.f32 s8, s4  }
0x1e: {  	p1 =	por !p0, !p0;
	s12 =	simm.s32 @!p0 $0x0;
	p0 =	sgt.f32 s8, s10  }
0x1f: {  	s4 =	smov.u32 @p2 s8  }
0x20: {  	(v2sf) =	vpush v0, $0xD;
	s11 =	spop (v2sf);
	s5 =	simm.s32 $0x1;
	s4 =	smov.u32 @p0 s10  }
0x21: {  	s5 =	simm.s32 @!p1 $0x0;
	s10 =	smov.u32 @p0 s8;
	p1 =	sgt.f32 s11, s4  }
0x22: {  	s5 =	simm.s32 @p2 $0x2;
	p2 =	sgt.f32 s11, s10  }
0x23: {  	(v2sf) =	vpush v0, $0xE;
	s4 =	smov.u32 @p1 s11  }
0x24: {  	(v2sf) =	vpush v0, $0x9;
	s13 =	spop (v2sf);
	s5 =	smov.u32 @p0 s12;
	s4 =	smov.u32 @p2 s10  }
0x25: {  	(v2sf) =	vpush v0, $0x8;
	s12 =	simm.s32 @p0 $0x2;
	s10 =	smov.u32 @p2 s11;
	p0 =	sgt.f32 s7, s4  }
0x26: {  	s5 =	simm.s32 @p1 $0x3;
	p1 =	sgt.f32 s7, s10  }
0x27: {  	s4 =	smov.u32 @p0 s7  }
0x28: {  	s5 =	smov.u32 @p2 s12;
	s4 =	smov.u32 @p1 s10  }
0x29: {  	s5 =	simm.s32 @p0 $0x4;
	s10 =	smov.u32 @p1 s7;
	p0 =	sgt.f32 s13, s4  }
0x2a: {  	s9 =	spop (v2sf);
	s12 =	simm.s32 @p2 $0x3;
	p2 =	sgt.f32 s13, s10  }
0x2b: {  	s11 =	spop (v2sf);
	(v2sf) =	vpush v0, $0xA;
	s4 =	smov.u32 @p0 s13  }
0x2c: {  	s15 =	spop (v2sf);
	s4 =	smov.u32 @p2 s10  }
0x2d: {  	s5 =	smov.u32 @p1 s12;
	s10 =	smov.u32 @p2 s13;
	p3 =	sgt.f32 s15, s4  }
0x2e: {  	s14 =	smov.u32 s12;
	s5 =	simm.s32 @p0 $0x5;
	p0 =	sgt.f32 s15, s10  }
0x2f: {  	s14 =	simm.s32 @p1 $0x4;
	s8 =	spop (v2sf);
	s4 =	smov.u32 @p3 s15  }
0x30: {  	s5 =	smov.u32 @p2 s14;
	s16 =	smov.u32 s10;
	s4 =	smov.u32 @p0 s10  }
0x31: {  	s16 =	smov.u32 @p0 s15;
	s5 =	simm.s32 @p3 $0x6;
	p3 =	sgt.f32 s11, s4  }
0x32: {  	s12 =	smov.u32 s14;
	s7 =	spop (v2sf);
	p1 =	sgt.f32 s11, s16  }
0x33: {  	s12 =	simm.s32 @p2 $0x5;
	s13 =	spop (v2sf);
	s4 =	smov.u32 @p3 s11  }
0x34: {  	(v2sf) =	vpush v0, $0xC;
	s14 =	spop (v2sf);
	s15 =	smov.u32 s16;
	s4 =	smov.u32 @p1 s16  }
0x35: {  	s10 =	smov.u32 s12;
	s15 =	smov.u32 @p1 s11;
	p4 =	sgt.f32 s14, s4  }
0x36: {  	s6 =	ssub.s32 $0x2, s6;
	s10 =	simm.s32 @p0 $0x6;
	p2 =	sgt.f32 s14, s15  }
0x37: {  	s5 =	smov.u32 @p0 s12;
	s11 =	smov.u32 s10;
	s4 =	smov.u32 @p4 s14  }
0x38: {  	s12 =	smov.u32 s15;
	s5 =	simm.s32 @p3 $0x7;
	s4 =	smov.u32 @p2 s15  }
0x39: {  	s11 =	simm.s32 @p1 $0x7;
	s12 =	smov.u32 @p2 s14;
	p0 =	sgt.f32 s13, s4  }
0x3a: {  	s5 =	smov.u32 @p1 s10;
	s16 =	spop (v2sf);
	p1 =	sgt.f32 s13, s12  }
0x3b: {  	s10 =	smov.u32 s12;
	s14 =	smov.u32 s11;
	s4 =	smov.u32 @p0 s13  }
0x3c: {  	s5 =	simm.s32 @p4 $0x8;
	s14 =	simm.s32 @p2 $0x8;
	s4 =	smov.u32 @p1 s12  }
0x3d: {  	s5 =	smov.u32 @p2 s11;
	s10 =	smov.u32 @p1 s13;
	p2 =	sgt.f32 s16, s4  }
0x3e: {  	s31 =	sshrl.u32 s6, $0x1;
	p3 =	sgt.f32 s16, s10  }
0x3f: {  	s6 =	ssub.s32 s6, s31;
	s11 =	smov.u32 s14;
	s4 =	smov.u32 @p2 s16  }
0x40: {  	s5 =	simm.s32 @p0 $0x9;
	s12 =	smov.u32 s10;
	s4 =	smov.u32 @p3 s10  }
0x41: {  	s5 =	smov.u32 @p1 s14;
	s12 =	smov.u32 @p3 s16;
	p0 =	sgt.f32 s9, s4  }
0x42: {  	s11 =	simm.s32 @p1 $0x9;
	p1 =	sgt.f32 s9, s12;
	s5 =	simm.s32 @p2 $0xA  }
0x43: {  	s13 =	spop (v2sf);
	s5 =	smov.u32 @p3 s11;
	s4 =	smov.u32 @p0 s9  }
0x44: {  	s10 =	smov.u32 s12;
	s11 =	simm.s32 @p3 $0xA;
	s4 =	smov.u32 @p1 s12  }
0x45: {  	s10 =	smov.u32 @p1 s9;
	s5 =	simm.s32 @p0 $0xB;
	p2 =	sgt.f32 s13, s4  }
0x46: {  	p3 =	sgt.f32 s13, s10;
	s9 =	smov.u32 s11;
	s5 =	smov.u32 @p1 s11  }
0x47: {  	s9 =	simm.s32 @p1 $0xB;
	s4 =	smov.u32 @p2 s13;
	s5 =	simm.s32 @p2 $0xC  }
0x48: {  	s4 =	smov.u32 @p3 s10;
	s10 =	smov.u32 @p3 s13;
	s5 =	smov.u32 @p3 s9  }
0x49: {  	s9 =	simm.s32 @p3 $0xC;
	p3 =	sne.s32 s6, $0x1;
	p1 =	sgt.f32 s8, s4  }
.Ltmp1:
0x4a: {  	p0 =	sgt.f32 s8, s10;
	(pc) =	sbr.rel @!p3 .LBB2_3-.Ltmp1, $4  }
0x4b: {  	s4 =	smov.u32 @p1 s8  }
0x4c: {  	s6 =	sadd.s32 $0xFFFFFFFF, s6;
	s5 =	simm.s32 @p1 $0xD;
	s4 =	smov.u32 @p0 s10  }
0x4d: {  	s10 =	smov.u32 @p0 s8;
	s8 =	smov.u32 s9;
	s5 =	smov.u32 @p0 s9  }
0x4e: {  	vm1 =	vcmask $0x300;
	vm0 =	vcmask $0x704;
	(v2sf) =	vpush v0, $0xF;
	p1 =	sgt.f32 s7, s10;
	p2 =	sgt.f32 s7, s4;
	s8 =	simm.s32 @p0 $0xD  }
.LBB2_2:
0x4f: {  	_ =	sdelay $0xc  }
0x50: {  	s9 =	smov.u32 s8;
	s12 =	smov.u32 s10  }
0x51: {  	s12 =	smov.u32 @p1 s7;
	s4 =	smov.u32 @p2 s7;
	s11 =	spop (v2sf)  }
0x52: {  	s9 =	simm.s32 @p1 $0xE;
	s4 =	smov.u32 @p1 s10;
	p3 =	sgt.f32 s11, s12  }
0x53: {  	s5 =	simm.s32 @p2 $0xE;
	p2 =	sgt.f32 s11, s4;
	s4 =	smov.u32 s9  }
0x54: {  	s5 =	smov.u32 @p1 s8;
	s4 =	simm.s32 @p3 $0xF  }
0x55: {  	s5 =	simm.s32 @p2 $0xF;
	v0 =	vmov s4  }
0x56: {  	s5 =	smov.u32 @p3 s9;
	v0 =	vnsel vm1, $0x0, v0  }
0x57: {  	s29 =	rddreg [dreg:$0x5];
	v0 =	vsel vm0, s5, v0  }
0x58: {  	s30 =	rddreg [dreg:$0x4];
	[tilespmem:$0x80] =	vst v0  }
0x59: {  	[hbm4b:s30+s3] =	stream.linear.scatter [tilespmem:s29], [sflag:$0x1], $0x80, $0x38;
	[tilespmem:$0x100] =	vst v63  }
0x5a: {  	_ =	swait.ge [sflag:s2], $0x80  }
0x5b: {  	[sflag:s2] =	ssyncset.done $0x0  }
0x5c: {  	s31 =	rddreg [dreg:$0x3];
	[sflag:s2] =	ssyncadd.s32 $0xFFFFFF80  }
0x5d: {  	[tilespmem:s3], [sflag:$0x1] =	stream.linear.gather [hbm4b:s31+s3], $0x80, $0x38;
	[tilespmem:$0x100] =	vst v63  }
0x5e: {  	_ =	swait.ge [sflag:s2], $0x80  }
0x5f: {  	[sflag:s2] =	ssyncset.done $0x0  }
0x60: {  	[sflag:s2] =	ssyncadd.s32 $0xFFFFFF80  }
0x61: {  	v63 =	vld [tilespmem:$0x0];
	_ =	sdelay $0x4  }
0x62: {  	(v2sf) =	vpush v63, $0x4  }
0x63: {  	(v2sf) =	vpush v63, $0x0  }
0x64: {  	(v2sf) =	vpush v63, $0x1;
	_ =	sdelay $0x2  }
0x65: {  	(v2sf) =	vpush v63, $0x2;
	_ =	sdelay $0x3  }
0x66: {  	(v2sf) =	vpush v63, $0x3;
	_ =	sdelay $0x2  }
0x67: {  	(v2sf) =	vpush v63, $0x5;
	_ =	sdelay $0x2  }
0x68: {  	s7 =	spop (v2sf)  }
0x69: {  	s5 =	spop (v2sf)  }
0x6a: {  	s4 =	spop (v2sf)  }
0x6b: {  	p1 =	sgt.f32 s4, s5  }
0x6c: {  	(v2sf) =	vpush v63, $0xB;
	s10 =	smov.u32 s5  }
0x6d: {  	(v2sf) =	vpush v63, $0x7;
	s8 =	spop (v2sf);
	s10 =	smov.u32 @p1 s4;
	s4 =	smov.u32 @p1 s5  }
0x6e: {  	s12 =	simm.s32 $0x1;
	(v2sf) =	vpush v63, $0x6;
	p3 =	sgt.f32 s8, s4  }
0x6f: {  	p2 =	por !p1, !p1;
	s12 =	simm.s32 @!p1 $0x0;
	p1 =	sgt.f32 s8, s10  }
0x70: {  	s5 =	simm.s32 $0x1;
	s4 =	smov.u32 @p3 s8  }
0x71: {  	s11 =	spop (v2sf);
	(v2sf) =	vpush v63, $0xD;
	s5 =	simm.s32 @!p2 $0x0;
	s4 =	smov.u32 @p1 s10  }
0x72: {  	(v2sf) =	vpush v63, $0xE;
	s5 =	simm.s32 @p3 $0x2;
	s10 =	smov.u32 @p1 s8;
	p3 =	sgt.f32 s11, s4  }
0x73: {  	p2 =	sgt.f32 s11, s10  }
0x74: {  	s13 =	spop (v2sf);
	(v2sf) =	vpush v63, $0x9;
	s4 =	smov.u32 @p3 s11  }
0x75: {  	(v2sf) =	vpush v63, $0x8;
	s5 =	smov.u32 @p1 s12;
	s4 =	smov.u32 @p2 s10  }
0x76: {  	s5 =	simm.s32 @p3 $0x3;
	s10 =	smov.u32 @p2 s11;
	p3 =	sgt.f32 s7, s4  }
0x77: {  	s12 =	simm.s32 @p1 $0x2;
	p1 =	sgt.f32 s7, s10  }
0x78: {  	s4 =	smov.u32 @p3 s7  }
0x79: {  	s5 =	smov.u32 @p2 s12;
	s4 =	smov.u32 @p1 s10  }
0x7a: {  	s5 =	simm.s32 @p3 $0x4;
	s10 =	smov.u32 @p1 s7;
	p3 =	sgt.f32 s13, s4  }
0x7b: {  	s9 =	spop (v2sf);
	s12 =	simm.s32 @p2 $0x3;
	p2 =	sgt.f32 s13, s10  }
0x7c: {  	s14 =	smov.u32 s12;
	s11 =	spop (v2sf);
	s4 =	smov.u32 @p3 s13  }
0x7d: {  	s5 =	smov.u32 @p1 s12;
	s15 =	spop (v2sf);
	s4 =	smov.u32 @p2 s10  }
0x7e: {  	(v2sf) =	vpush v63, $0xA;
	s5 =	simm.s32 @p3 $0x5;
	s10 =	smov.u32 @p2 s13;
	p3 =	sgt.f32 s15, s4  }
0x7f: {  	s14 =	simm.s32 @p1 $0x4;
	p1 =	sgt.f32 s15, s10  }
0x80: {  	s12 =	smov.u32 s14;
	s8 =	spop (v2sf);
	s4 =	smov.u32 @p3 s15  }
0x81: {  	s7 =	spop (v2sf);
	s16 =	smov.u32 s10;
	s4 =	smov.u32 @p1 s10  }
0x82: {  	s12 =	simm.s32 @p2 $0x5;
	s16 =	smov.u32 @p1 s15;
	p4 =	sgt.f32 s11, s4  }
0x83: {  	s13 =	spop (v2sf);
	s5 =	smov.u32 @p2 s14;
	p2 =	sgt.f32 s11, s16  }
0x84: {  	s14 =	spop (v2sf);
	(v2sf) =	vpush v63, $0xC;
	s4 =	smov.u32 @p4 s11  }
0x85: {  	s5 =	simm.s32 @p3 $0x6;
	s15 =	smov.u32 s16;
	s4 =	smov.u32 @p2 s16  }
0x86: {  	s10 =	smov.u32 s12;
	s15 =	smov.u32 @p2 s11;
	p5 =	sgt.f32 s14, s4  }
0x87: {  	s5 =	smov.u32 @p1 s12;
	s10 =	simm.s32 @p1 $0x6;
	p3 =	sgt.f32 s14, s15  }
0x88: {  	s11 =	smov.u32 s10;
	s12 =	smov.u32 s15;
	s4 =	smov.u32 @p5 s14  }
0x89: {  	s5 =	simm.s32 @p4 $0x7;
	s11 =	simm.s32 @p2 $0x7;
	s4 =	smov.u32 @p3 s15  }
0x8a: {  	s5 =	smov.u32 @p2 s10;
	s12 =	smov.u32 @p3 s14;
	p2 =	sgt.f32 s13, s4  }
0x8b: {  	p4 =	sgt.f32 s13, s12;
	s10 =	smov.u32 s12  }
0x8c: {  	s14 =	smov.u32 s11;
	s5 =	simm.s32 @p5 $0x8;
	s4 =	smov.u32 @p2 s13  }
0x8d: {  	s16 =	spop (v2sf);
	s5 =	smov.u32 @p3 s11;
	s4 =	smov.u32 @p4 s12  }
0x8e: {  	s10 =	smov.u32 @p4 s13;
	s5 =	simm.s32 @p2 $0x9;
	p2 =	sgt.f32 s16, s4  }
0x8f: {  	s14 =	simm.s32 @p3 $0x8;
	p1 =	sgt.f32 s16, s10  }
0x90: {  	s11 =	smov.u32 s14;
	s4 =	smov.u32 @p2 s16  }
0x91: {  	s11 =	simm.s32 @p4 $0x9;
	s12 =	smov.u32 s10;
	s4 =	smov.u32 @p1 s10  }
0x92: {  	s5 =	smov.u32 @p4 s14;
	s12 =	smov.u32 @p1 s16;
	p3 =	sgt.f32 s9, s4  }
0x93: {  	s13 =	spop (v2sf);
	s5 =	simm.s32 @p2 $0xA;
	p2 =	sgt.f32 s9, s12  }
0x94: {  	s5 =	smov.u32 @p1 s11;
	s10 =	smov.u32 s12;
	s4 =	smov.u32 @p3 s9  }
0x95: {  	s11 =	simm.s32 @p1 $0xA;
	s10 =	smov.u32 @p2 s9;
	s4 =	smov.u32 @p2 s12  }
0x96: {  	s9 =	smov.u32 s11;
	s5 =	simm.s32 @p3 $0xB;
	p1 =	sgt.f32 s13, s4  }
0x97: {  	s9 =	simm.s32 @p2 $0xB;
	s5 =	smov.u32 @p2 s11;
	p2 =	sgt.f32 s13, s10  }
0x98: {  	s4 =	smov.u32 @p1 s13  }
0x99: {  	p0 =	sne.s32 s6, $0x1;
	s4 =	smov.u32 @p2 s10  }
0x9a: {  	s5 =	simm.s32 @p1 $0xC;
	s10 =	smov.u32 @p2 s13;
	p1 =	sgt.f32 s8, s4  }
.Ltmp2:
0x9b: {  	p3 =	sgt.f32 s8, s10;
	(pc) =	sbr.rel @p0 .LBB2_2-.Ltmp2, $4  }
0x9c: {  	s6 =	sadd.s32 $0xFFFFFFFF, s6;
	s5 =	smov.u32 @p2 s9;
	s4 =	smov.u32 @p1 s8  }
0x9d: {  	s9 =	simm.s32 @p2 $0xC;
	s5 =	simm.s32 @p1 $0xD;
	s4 =	smov.u32 @p3 s10  }
0x9e: {  	s10 =	smov.u32 @p3 s8;
	s8 =	smov.u32 s9;
	s5 =	smov.u32 @p3 s9  }
0x9f: {  	(v2sf) =	vpush v63, $0xF;
	p1 =	sgt.f32 s7, s10;
	p2 =	sgt.f32 s7, s4;
	s8 =	simm.s32 @p3 $0xD  }
.LBB2_3:
0xa0: {  	_ =	sdelay $0xc  }
0xa1: {  	s6 =	smov.u32 s8;
	s11 =	smov.u32 s10  }
0xa2: {  	s11 =	smov.u32 @p1 s7;
	s4 =	smov.u32 @p2 s7;
	s9 =	spop (v2sf)  }
0xa3: {  	s6 =	simm.s32 @p1 $0xE;
	s4 =	smov.u32 @p1 s10;
	p0 =	sgt.f32 s9, s11  }
0xa4: {  	s5 =	simm.s32 @p2 $0xE;
	p2 =	sgt.f32 s9, s4;
	s4 =	smov.u32 s6  }
0xa5: {  	s5 =	smov.u32 @p1 s8;
	s4 =	simm.s32 @p0 $0xF  }
0xa6: {  	s5 =	simm.s32 @p2 $0xF;
	v0 =	vmov s4  }
0xa7: {  	s5 =	smov.u32 @p0 s6;
	v0 =	vnsel vm1, $0x0, v0  }
0xa8: {  	s30 =	rddreg [dreg:$0x5];
	v0 =	vsel vm0, s5, v0  }
0xa9: {  	s31 =	rddreg [dreg:$0x4];
	[tilespmem:$0x80] =	vst v0  }
0xaa: {  	[hbm4b:s31+s3] =	stream.linear.scatter [tilespmem:s30], [sflag:$0x1], $0x80, $0x38;
	[tilespmem:$0x100] =	vst v63  }
0xab: {  	_ =	swait.ge [sflag:s2], $0x80  }
0xac: {  	[sflag:s2] =	ssyncset.done $0x0  }
0xad: {  	[sflag:s2] =	ssyncadd.s32 $0xFFFFFF80  }
.LBB2_4:
0xae: {  	_ =	sfence.sel $0x180000  }
0xaf: {  	[bflag:$0x0] =	sbarrier.arrive $0xFFFF  }
0xb0: {  	p0 =	sne.s32 s0, $0x0;
	_ =	strace $0x90000047  }
0xb1: {  	s0 =	sadd.s32 @!p0 $0x100000, s1;
	[bflag:$0x2] =	sbarrier.arrive $0xFFFF  }
0xb2: {  	[sflag:s0] =	ssyncadd.tile.s32 @!p0 $0x1;
	_ =	shalt  }
.Lfunc_end2:
_tile_overlayer_lowered:
.L_overlay_start_2:
0xb3: {  	(tag) =	ssettag $0x2  }
0xb4: {  	s0 =	rddreg [dreg:$0x0];
	s2 =	stileid.u32  }
0xb5: {  	s1 =	rddreg [dreg:$0x1];
	p0 =	sne.s32 s2, $0x0  }
0xb6: {  	s3 =	rddreg [dreg:$0x2];
	[bflag:$0x3] =	sbarrier.arrive $0xFFFF;
	s2 =	simm.s32 @!p0 $0x1C01  }
0xb7: {  	[timem:s3], [sflag:s2] =	dma.local @!p0 [hbm:s0], s1  }
0xb8: {  	s0 =	simm.s32 @!p0 $0x1  }
0xb9: {  	_ =	swait.ge @!p0 [sflag:s0], s1  }
0xba: {  	s1 =	ssub.s32 @!p0 $0x0, s1;
	[sflag:s0] =	ssyncset.done @!p0 $0x0  }
0xbb: {  	[sflag:s0] =	ssyncadd.s32 @!p0 s1  }
0xbc: {  	[bflag:$0x3] =	sbarrier.arrive $0xFFFF  }
0xbd: {  	_ =	shalt  }

</sc_bundles>
